<compile_context>
chip_gen: v7x
topology: tpu7x:2x2x1
jax: 0.10.2.dev20260603
libtpu: 0.0.44.dev20260713+nightly
codegen_flags: <defaults>
</compile_context>

<pallas_src>
import functools

import jax
import jax.numpy as jnp
from jax import lax
from jax.experimental import pallas as pl
from jax.experimental.pallas import tpu as pltpu
from jax.experimental.pallas import tpu_sc as plsc

NUM_EXPERTS_K = 64
TOPK_K = 8
ROW_BLOCK = 1024
N_TOKENS = 16384
NC, NS, LANES = 2, 16, 16
NW = NC * NS
RPW = N_TOKENS // NW


def _matmul_body(x_ref, w_ref, s_ref):
    s_ref[...] = jnp.dot(
        x_ref[...], w_ref[...], preferred_element_type=jnp.float32
    )


def _tc_scores(x_flat, W):
    N, D = x_flat.shape
    E = W.shape[1]
    return pl.pallas_call(
        _matmul_body,
        grid=(N // ROW_BLOCK,),
        in_specs=[
            pl.BlockSpec((ROW_BLOCK, D), lambda i: (i, 0)),
            pl.BlockSpec((D, E), lambda i: (0, 0)),
        ],
        out_specs=pl.BlockSpec((ROW_BLOCK, E), lambda i: (i, 0)),
        out_shape=jax.ShapeDtypeStruct((N, E), jnp.float32),
    )(x_flat, W)


@functools.partial(
    pl.kernel,
    out_type=[
        jax.ShapeDtypeStruct((N_TOKENS, LANES), jnp.float32),
        jax.ShapeDtypeStruct((N_TOKENS, LANES), jnp.int32),
        jax.ShapeDtypeStruct((N_TOKENS, NUM_EXPERTS_K), jnp.float32),
    ],
    mesh=plsc.VectorSubcoreMesh(core_axis_name="c", subcore_axis_name="s"),
    compiler_params=pltpu.CompilerParams(
        needs_layout_passes=False, use_tc_tiling_on_sc=False
    ),
    scratch_types=[
        pltpu.VMEM((RPW, NUM_EXPERTS_K), jnp.float32),
        pltpu.VMEM((RPW, LANES), jnp.float32),
        pltpu.VMEM((RPW, LANES), jnp.int32),
        pltpu.VMEM((RPW, NUM_EXPERTS_K), jnp.float32),
    ],
)
def _sc_router(scores_hbm, wts_hbm, idx_hbm, mask_hbm, s_v, w_v, i_v, m_v):
    wid = lax.axis_index("s") * NC + lax.axis_index("c")
    base = wid * RPW
    pltpu.sync_copy(scores_hbm.at[pl.ds(base, RPW)], s_v)

    lane = lax.iota(jnp.int32, 16)
    lane_lt8 = lane < TOPK_K
    flane = lane.astype(jnp.float32)
    chunk_idx = [lane + LANES * c for c in range(NUM_EXPERTS_K // LANES)]

    def row_body(r, _):
        s_orig = [
            s_v[r, pl.ds(c * LANES, LANES)]
            for c in range(NUM_EXPERTS_K // LANES)
        ]
        cur = list(s_orig)
        vals = []
        idxs = []
        for _k in range(TOPK_K):
            m01 = jnp.maximum(cur[0], cur[1])
            m23 = jnp.maximum(cur[2], cur[3])
            m = jnp.max(jnp.maximum(m01, m23))
            cands = [
                jnp.where(cur[c] == m, chunk_idx[c], NUM_EXPERTS_K)
                for c in range(4)
            ]
            c01 = jnp.minimum(cands[0], cands[1])
            c23 = jnp.minimum(cands[2], cands[3])
            pick = jnp.min(jnp.minimum(c01, c23))
            cur = [
                jnp.where(chunk_idx[c] == pick, -jnp.inf, cur[c])
                for c in range(4)
            ]
            vals.append(m)
            idxs.append(pick)

        vvec = jnp.zeros((16,), jnp.float32)
        ivec = jnp.zeros((16,), jnp.int32)
        for j in range(TOPK_K):
            vvec = jnp.where(lane == j, vals[j], vvec)
            ivec = jnp.where(lane == j, idxs[j], ivec)

        m0 = vals[0]
        e_all = [jnp.exp(s_orig[c] - m0) for c in range(4)]
        total = jnp.sum(e_all[0] + e_all[1] + e_all[2] + e_all[3])
        w16 = jnp.exp(vvec - m0)
        s8 = jnp.sum(jnp.where(lane_lt8, w16, 0.0))
        w_v[r, :] = w16 / (s8 + 1e-8 * total)
        i_v[r, :] = ivec

        v8 = vals[TOPK_K - 1]
        i8 = idxs[TOPK_K - 1]
        for c in range(4):
            hit = (s_orig[c] > v8) | ((s_orig[c] == v8) & (chunk_idx[c] <= i8))
            m_v[r, pl.ds(c * LANES, LANES)] = jnp.where(hit, 1.0, 0.0)
        return 0

    lax.fori_loop(0, RPW, row_body, 0)

    pltpu.sync_copy(w_v, wts_hbm.at[pl.ds(base, RPW)])
    pltpu.sync_copy(i_v, idx_hbm.at[pl.ds(base, RPW)])
    pltpu.sync_copy(m_v, mask_hbm.at[pl.ds(base, RPW)])


@functools.partial(jax.jit, static_argnames=())
def kernel(x, W):
    B, S, D = x.shape
    N = B * S
    E = W.shape[1]
    x_flat = x.reshape(N, D)
    scores = _tc_scores(x_flat, W)
    wts16, idx16, mask = _sc_router(scores)
    return wts16[:, :TOPK_K], idx16[:, :TOPK_K], mask.reshape(B, S, E)

# --- scband reference (transcript-rebuilt; emitter-appended) ---
"""Pipeline reference for scband-fixed-matrix-router-38371237822636 (READ-ONLY COPY).

The authoritative reference and input builder live on the scoring server;
editing this copy changes nothing except your own understanding.
"""

import jax, jax.numpy as jnp
import numpy as np

NUM_EXPERTS = 64
TOP_K = 8

def setup_inputs(seed: int = 0) -> dict:
    key = jax.random.key(seed)
    k1, k2 = jax.random.split(key)
    x = jax.random.normal(k1, (4, 4096, 4096), dtype=jnp.float32)
    W = jax.random.normal(k2, (4096, NUM_EXPERTS), dtype=jnp.float32) * 0.1
    return {"x": x, "W": W}

def reference(x, W):
    B, S, D = x.shape
    x_flat = x.reshape(-1, D)
    gate_scores = jnp.matmul(x_flat, W)
    gate_probs = jax.nn.softmax(gate_scores, axis=-1)
    top_k_probs, top_k_indices = jax.lax.top_k(gate_probs, TOP_K)
    top_k_weights = top_k_probs / (jnp.sum(top_k_probs, axis=-1, keepdims=True) + 1e-08)
    N = x_flat.shape[0]
    routing_mask = jnp.zeros_like(gate_probs).at[jnp.arange(N)[:, None], top_k_indices].set(1.0)
    return (top_k_weights, top_k_indices, routing_mask.reshape(B, S, NUM_EXPERTS))

if __name__ == "__main__":
    import jax
    _d = setup_inputs()
    print(jax.jit(kernel)(*tuple(_d.values())))

</pallas_src>

<mosaic_0001>
#map = affine_map<(d0, d1) -> (0, 0)>
module attributes {stable_mosaic.version = 14 : i64} {
  func.func @_sc_router(%arg0: i32, %arg1: i32, %arg2: memref<16384x64xf32, #tpu.memory_space<hbm>>, %arg3: memref<16384x16xf32, #tpu.memory_space<hbm>>, %arg4: memref<16384x16xi32, #tpu.memory_space<hbm>>, %arg5: memref<16384x64xf32, #tpu.memory_space<hbm>>, %arg6: memref<512x64xf32, #tpu.memory_space<vmem>>, %arg7: memref<512x16xf32, #tpu.memory_space<vmem>>, %arg8: memref<512x16xi32, #tpu.memory_space<vmem>>, %arg9: memref<512x64xf32, #tpu.memory_space<vmem>>) attributes {dimension_semantics = [#tpu.dimension_semantics<core_parallel>, #tpu.dimension_semantics<subcore_parallel>], iteration_bounds = array<i64: 2, 16>, scalar_prefetch = 0 : i64, scratch_operands = 4 : i64, tpu.core_type = #tpu.core_type<sc_vector_subcore>, window_params = [{transform_indices = #map}, {transform_indices = #map}, {transform_indices = #map}, {transform_indices = #map}]} {
    %mul3A = arith.constant 2 : i32
    %mul3A_0 = arith.muli %arg1, %mul3A : i32
    %add3A = arith.addi %mul3A_0, %arg0 : i32
    %mul3A_1 = arith.constant 512 : i32
    %mul3A_2 = arith.muli %add3A, %mul3A_1 : i32
    "tpu.region"() ({
      %run_scoped3A = tpu.sem_alloc : memref<!tpu.dma_semaphore, #tpu.memory_space<semaphore_mem>>
      %dma_start3A = arith.constant 0 : i32
      %dma_start3A_23 = tpu.memref_slice %arg2[%mul3A_2, %dma_start3A] : memref<16384x64xf32, #tpu.memory_space<hbm>> -> memref<512x64xf32, #tpu.memory_space<hbm>>
      %dma_start3A_24 = arith.constant 0 : i32
      %dma_start3A_25 = tpu.memref_slice %arg2[%mul3A_2, %dma_start3A_24] : memref<16384x64xf32, #tpu.memory_space<hbm>> -> memref<512x64xf32, #tpu.memory_space<hbm>>
      tpu.enqueue_dma source(%dma_start3A_25 : memref<512x64xf32, #tpu.memory_space<hbm>>) target(%arg6 : memref<512x64xf32, #tpu.memory_space<vmem>>) target_semaphore(%run_scoped3A : memref<!tpu.dma_semaphore, #tpu.memory_space<semaphore_mem>>)
      %dma_wait3A = arith.constant 0 : i32
      %dma_wait3A_26 = tpu.memref_slice %arg2[%mul3A_2, %dma_wait3A] : memref<16384x64xf32, #tpu.memory_space<hbm>> -> memref<512x64xf32, #tpu.memory_space<hbm>>
      %dma_wait3A_27 = arith.constant 0 : i32
      %dma_wait3A_28 = tpu.memref_slice %arg2[%mul3A_2, %dma_wait3A_27] : memref<16384x64xf32, #tpu.memory_space<hbm>> -> memref<512x64xf32, #tpu.memory_space<hbm>>
      tpu.wait_dma2 semaphore(%run_scoped3A : memref<!tpu.dma_semaphore, #tpu.memory_space<semaphore_mem>>) src(%dma_wait3A_28 : memref<512x64xf32, #tpu.memory_space<hbm>>) dst(%arg6 : memref<512x64xf32, #tpu.memory_space<vmem>>)
      tpu.yield
    }) : () -> ()
    %iota3A = tpu.iota {dimensions = array<i32: 0>} : vector<16xi32>
    %lt3A = arith.constant 8 : i32
    %lt3A_3 = vector.broadcast %lt3A : i32 to vector<16xi32>
    %lt3A_4 = arith.cmpi slt, %iota3A, %lt3A_3 : vector<16xi32>
    %convert_element_type3A = arith.sitofp %iota3A : vector<16xi32> to vector<16xf32>
    %add3A_5 = arith.constant 0 : i32
    %add3A_6 = vector.broadcast %add3A_5 : i32 to vector<16xi32>
    %add3A_7 = arith.addi %iota3A, %add3A_6 : vector<16xi32>
    %add3A_8 = arith.constant 16 : i32
    %add3A_9 = vector.broadcast %add3A_8 : i32 to vector<16xi32>
    %add3A_10 = arith.addi %iota3A, %add3A_9 : vector<16xi32>
    %add3A_11 = arith.constant 32 : i32
    %add3A_12 = vector.broadcast %add3A_11 : i32 to vector<16xi32>
    %add3A_13 = arith.addi %iota3A, %add3A_12 : vector<16xi32>
    %add3A_14 = arith.constant 48 : i32
    %add3A_15 = vector.broadcast %add3A_14 : i32 to vector<16xi32>
    %add3A_16 = arith.addi %iota3A, %add3A_15 : vector<16xi32>
    %scan3A = arith.constant 0 : i32
    %scan3A_17 = arith.constant 0 : i32
    %scan3A_18 = arith.constant 512 : i32
    %scan3A_19 = arith.addi %scan3A_17, %scan3A_18 : i32
    %scan3A_20 = arith.constant 1 : i32
    %scan3A_21 = scf.for %scan3A_23 = %scan3A_17 to %scan3A_19 step %scan3A_20 iter_args(%scan3A_24 = %scan3A) -> (i32)  : i32 {
      %get3A = arith.index_cast %scan3A_23 : i32 to index
      %get3A_25 = arith.constant 0 : index
      %get3A_26 = tpu.vector_load %arg6[%get3A, %get3A_25] {strides = array<i32>} : memref<512x64xf32, #tpu.memory_space<vmem>>, vector<16xf32>,
      %get3A_27 = arith.index_cast %scan3A_23 : i32 to index
      %get3A_28 = arith.constant 16 : index
      %get3A_29 = tpu.vector_load %arg6[%get3A_27, %get3A_28] {strides = array<i32>} : memref<512x64xf32, #tpu.memory_space<vmem>>, vector<16xf32>,
      %get3A_30 = arith.index_cast %scan3A_23 : i32 to index
      %get3A_31 = arith.constant 32 : index
      %get3A_32 = tpu.vector_load %arg6[%get3A_30, %get3A_31] {strides = array<i32>} : memref<512x64xf32, #tpu.memory_space<vmem>>, vector<16xf32>,
      %get3A_33 = arith.index_cast %scan3A_23 : i32 to index
      %get3A_34 = arith.constant 48 : index
      %get3A_35 = tpu.vector_load %arg6[%get3A_33, %get3A_34] {strides = array<i32>} : memref<512x64xf32, #tpu.memory_space<vmem>>, vector<16xf32>,
      %max3A = arith.maximumf %get3A_26, %get3A_29 : vector<16xf32>
      %max3A_36 = arith.maximumf %get3A_32, %get3A_35 : vector<16xf32>
      %max3A_37 = arith.maximumf %max3A, %max3A_36 : vector<16xf32>
      %reduce_max3A = arith.constant true
      %reduce_max3A_38 = vector.broadcast %reduce_max3A : i1 to vector<16xi1>
      %reduce_max3A_39 = tpu.scan <max>, %max3A_37 masked %reduce_max3A_38 : vector<16xf32>, vector<16xi1> -> vector<16xf32>
      %reduce_max3A_40 = vector.extract %reduce_max3A_39[15] : f32 from vector<16xf32>
      %eq3A = vector.broadcast %reduce_max3A_40 : f32 to vector<16xf32>
      %eq3A_41 = arith.cmpf oeq, %get3A_26, %eq3A : vector<16xf32>
      %jit3A = arith.constant 64 : i32
      %broadcast_in_dim3A = vector.broadcast %jit3A : i32 to vector<16xi32>
      %select_n3A = arith.select %eq3A_41, %add3A_7, %broadcast_in_dim3A : vector<16xi1>, vector<16xi32>
      %eq3A_42 = vector.broadcast %reduce_max3A_40 : f32 to vector<16xf32>
      %eq3A_43 = arith.cmpf oeq, %get3A_29, %eq3A_42 : vector<16xf32>
      %jit3A_44 = arith.constant 64 : i32
      %broadcast_in_dim3A_45 = vector.broadcast %jit3A_44 : i32 to vector<16xi32>
      %select_n3A_46 = arith.select %eq3A_43, %add3A_10, %broadcast_in_dim3A_45 : vector<16xi1>, vector<16xi32>
      %eq3A_47 = vector.broadcast %reduce_max3A_40 : f32 to vector<16xf32>
      %eq3A_48 = arith.cmpf oeq, %get3A_32, %eq3A_47 : vector<16xf32>
      %jit3A_49 = arith.constant 64 : i32
      %broadcast_in_dim3A_50 = vector.broadcast %jit3A_49 : i32 to vector<16xi32>
      %select_n3A_51 = arith.select %eq3A_48, %add3A_13, %broadcast_in_dim3A_50 : vector<16xi1>, vector<16xi32>
      %eq3A_52 = vector.broadcast %reduce_max3A_40 : f32 to vector<16xf32>
      %eq3A_53 = arith.cmpf oeq, %get3A_35, %eq3A_52 : vector<16xf32>
      %jit3A_54 = arith.constant 64 : i32
      %broadcast_in_dim3A_55 = vector.broadcast %jit3A_54 : i32 to vector<16xi32>
      %select_n3A_56 = arith.select %eq3A_53, %add3A_16, %broadcast_in_dim3A_55 : vector<16xi1>, vector<16xi32>
      %min3A = arith.minsi %select_n3A, %select_n3A_46 : vector<16xi32>
      %min3A_57 = arith.minsi %select_n3A_51, %select_n3A_56 : vector<16xi32>
      %min3A_58 = arith.minsi %min3A, %min3A_57 : vector<16xi32>
      %reduce_min3A = arith.constant true
      %reduce_min3A_59 = vector.broadcast %reduce_min3A : i1 to vector<16xi1>
      %reduce_min3A_60 = arith.constant -2147483648 : i32
      %reduce_min3A_61 = vector.broadcast %reduce_min3A_60 : i32 to vector<16xi32>
      %reduce_min3A_62 = arith.xori %min3A_58, %reduce_min3A_61 : vector<16xi32>
      %reduce_min3A_63 = tpu.scan <min>, %reduce_min3A_62 masked %reduce_min3A_59 : vector<16xi32>, vector<16xi1> -> vector<16xi32>
      %reduce_min3A_64 = arith.xori %reduce_min3A_63, %reduce_min3A_61 : vector<16xi32>
      %reduce_min3A_65 = vector.extract %reduce_min3A_64[15] : i32 from vector<16xi32>
      %eq3A_66 = vector.broadcast %reduce_min3A_65 : i32 to vector<16xi32>
      %eq3A_67 = arith.cmpi eq, %add3A_7, %eq3A_66 : vector<16xi32>
      %jit3A_68 = arith.constant 0xFF800000 : f32
      %broadcast_in_dim3A_69 = vector.broadcast %jit3A_68 : f32 to vector<16xf32>
      %select_n3A_70 = arith.select %eq3A_67, %broadcast_in_dim3A_69, %get3A_26 : vector<16xi1>, vector<16xf32>
      %eq3A_71 = vector.broadcast %reduce_min3A_65 : i32 to vector<16xi32>
      %eq3A_72 = arith.cmpi eq, %add3A_10, %eq3A_71 : vector<16xi32>
      %jit3A_73 = arith.constant 0xFF800000 : f32
      %broadcast_in_dim3A_74 = vector.broadcast %jit3A_73 : f32 to vector<16xf32>
      %select_n3A_75 = arith.select %eq3A_72, %broadcast_in_dim3A_74, %get3A_29 : vector<16xi1>, vector<16xf32>
      %eq3A_76 = vector.broadcast %reduce_min3A_65 : i32 to vector<16xi32>
      %eq3A_77 = arith.cmpi eq, %add3A_13, %eq3A_76 : vector<16xi32>
      %jit3A_78 = arith.constant 0xFF800000 : f32
      %broadcast_in_dim3A_79 = vector.broadcast %jit3A_78 : f32 to vector<16xf32>
      %select_n3A_80 = arith.select %eq3A_77, %broadcast_in_dim3A_79, %get3A_32 : vector<16xi1>, vector<16xf32>
      %eq3A_81 = vector.broadcast %reduce_min3A_65 : i32 to vector<16xi32>
      %eq3A_82 = arith.cmpi eq, %add3A_16, %eq3A_81 : vector<16xi32>
      %jit3A_83 = arith.constant 0xFF800000 : f32
      %broadcast_in_dim3A_84 = vector.broadcast %jit3A_83 : f32 to vector<16xf32>
      %select_n3A_85 = arith.select %eq3A_82, %broadcast_in_dim3A_84, %get3A_35 : vector<16xi1>, vector<16xf32>
      %max3A_86 = arith.maximumf %select_n3A_70, %select_n3A_75 : vector<16xf32>
      %max3A_87 = arith.maximumf %select_n3A_80, %select_n3A_85 : vector<16xf32>
      %max3A_88 = arith.maximumf %max3A_86, %max3A_87 : vector<16xf32>
      %reduce_max3A_89 = arith.constant true
      %reduce_max3A_90 = vector.broadcast %reduce_max3A_89 : i1 to vector<16xi1>
      %reduce_max3A_91 = tpu.scan <max>, %max3A_88 masked %reduce_max3A_90 : vector<16xf32>, vector<16xi1> -> vector<16xf32>
      %reduce_max3A_92 = vector.extract %reduce_max3A_91[15] : f32 from vector<16xf32>
      %eq3A_93 = vector.broadcast %reduce_max3A_92 : f32 to vector<16xf32>
      %eq3A_94 = arith.cmpf oeq, %select_n3A_70, %eq3A_93 : vector<16xf32>
      %jit3A_95 = arith.constant 64 : i32
      %broadcast_in_dim3A_96 = vector.broadcast %jit3A_95 : i32 to vector<16xi32>
      %select_n3A_97 = arith.select %eq3A_94, %add3A_7, %broadcast_in_dim3A_96 : vector<16xi1>, vector<16xi32>
      %eq3A_98 = vector.broadcast %reduce_max3A_92 : f32 to vector<16xf32>
      %eq3A_99 = arith.cmpf oeq, %select_n3A_75, %eq3A_98 : vector<16xf32>
      %jit3A_100 = arith.constant 64 : i32
      %broadcast_in_dim3A_101 = vector.broadcast %jit3A_100 : i32 to vector<16xi32>
      %select_n3A_102 = arith.select %eq3A_99, %add3A_10, %broadcast_in_dim3A_101 : vector<16xi1>, vector<16xi32>
      %eq3A_103 = vector.broadcast %reduce_max3A_92 : f32 to vector<16xf32>
      %eq3A_104 = arith.cmpf oeq, %select_n3A_80, %eq3A_103 : vector<16xf32>
      %jit3A_105 = arith.constant 64 : i32
      %broadcast_in_dim3A_106 = vector.broadcast %jit3A_105 : i32 to vector<16xi32>
      %select_n3A_107 = arith.select %eq3A_104, %add3A_13, %broadcast_in_dim3A_106 : vector<16xi1>, vector<16xi32>
      %eq3A_108 = vector.broadcast %reduce_max3A_92 : f32 to vector<16xf32>
      %eq3A_109 = arith.cmpf oeq, %select_n3A_85, %eq3A_108 : vector<16xf32>
      %jit3A_110 = arith.constant 64 : i32
      %broadcast_in_dim3A_111 = vector.broadcast %jit3A_110 : i32 to vector<16xi32>
      %select_n3A_112 = arith.select %eq3A_109, %add3A_16, %broadcast_in_dim3A_111 : vector<16xi1>, vector<16xi32>
      %min3A_113 = arith.minsi %select_n3A_97, %select_n3A_102 : vector<16xi32>
      %min3A_114 = arith.minsi %select_n3A_107, %select_n3A_112 : vector<16xi32>
      %min3A_115 = arith.minsi %min3A_113, %min3A_114 : vector<16xi32>
      %reduce_min3A_116 = arith.constant true
      %reduce_min3A_117 = vector.broadcast %reduce_min3A_116 : i1 to vector<16xi1>
      %reduce_min3A_118 = arith.constant -2147483648 : i32
      %reduce_min3A_119 = vector.broadcast %reduce_min3A_118 : i32 to vector<16xi32>
      %reduce_min3A_120 = arith.xori %min3A_115, %reduce_min3A_119 : vector<16xi32>
      %reduce_min3A_121 = tpu.scan <min>, %reduce_min3A_120 masked %reduce_min3A_117 : vector<16xi32>, vector<16xi1> -> vector<16xi32>
      %reduce_min3A_122 = arith.xori %reduce_min3A_121, %reduce_min3A_119 : vector<16xi32>
      %reduce_min3A_123 = vector.extract %reduce_min3A_122[15] : i32 from vector<16xi32>
      %eq3A_124 = vector.broadcast %reduce_min3A_123 : i32 to vector<16xi32>
      %eq3A_125 = arith.cmpi eq, %add3A_7, %eq3A_124 : vector<16xi32>
      %jit3A_126 = arith.constant 0xFF800000 : f32
      %broadcast_in_dim3A_127 = vector.broadcast %jit3A_126 : f32 to vector<16xf32>
      %select_n3A_128 = arith.select %eq3A_125, %broadcast_in_dim3A_127, %select_n3A_70 : vector<16xi1>, vector<16xf32>
      %eq3A_129 = vector.broadcast %reduce_min3A_123 : i32 to vector<16xi32>
      %eq3A_130 = arith.cmpi eq, %add3A_10, %eq3A_129 : vector<16xi32>
      %jit3A_131 = arith.constant 0xFF800000 : f32
      %broadcast_in_dim3A_132 = vector.broadcast %jit3A_131 : f32 to vector<16xf32>
      %select_n3A_133 = arith.select %eq3A_130, %broadcast_in_dim3A_132, %select_n3A_75 : vector<16xi1>, vector<16xf32>
      %eq3A_134 = vector.broadcast %reduce_min3A_123 : i32 to vector<16xi32>
      %eq3A_135 = arith.cmpi eq, %add3A_13, %eq3A_134 : vector<16xi32>
      %jit3A_136 = arith.constant 0xFF800000 : f32
      %broadcast_in_dim3A_137 = vector.broadcast %jit3A_136 : f32 to vector<16xf32>
      %select_n3A_138 = arith.select %eq3A_135, %broadcast_in_dim3A_137, %select_n3A_80 : vector<16xi1>, vector<16xf32>
      %eq3A_139 = vector.broadcast %reduce_min3A_123 : i32 to vector<16xi32>
      %eq3A_140 = arith.cmpi eq, %add3A_16, %eq3A_139 : vector<16xi32>
      %jit3A_141 = arith.constant 0xFF800000 : f32
      %broadcast_in_dim3A_142 = vector.broadcast %jit3A_141 : f32 to vector<16xf32>
      %select_n3A_143 = arith.select %eq3A_140, %broadcast_in_dim3A_142, %select_n3A_85 : vector<16xi1>, vector<16xf32>
      %max3A_144 = arith.maximumf %select_n3A_128, %select_n3A_133 : vector<16xf32>
      %max3A_145 = arith.maximumf %select_n3A_138, %select_n3A_143 : vector<16xf32>
      %max3A_146 = arith.maximumf %max3A_144, %max3A_145 : vector<16xf32>
      %reduce_max3A_147 = arith.constant true
      %reduce_max3A_148 = vector.broadcast %reduce_max3A_147 : i1 to vector<16xi1>
      %reduce_max3A_149 = tpu.scan <max>, %max3A_146 masked %reduce_max3A_148 : vector<16xf32>, vector<16xi1> -> vector<16xf32>
      %reduce_max3A_150 = vector.extract %reduce_max3A_149[15] : f32 from vector<16xf32>
      %eq3A_151 = vector.broadcast %reduce_max3A_150 : f32 to vector<16xf32>
      %eq3A_152 = arith.cmpf oeq, %select_n3A_128, %eq3A_151 : vector<16xf32>
      %jit3A_153 = arith.constant 64 : i32
      %broadcast_in_dim3A_154 = vector.broadcast %jit3A_153 : i32 to vector<16xi32>
      %select_n3A_155 = arith.select %eq3A_152, %add3A_7, %broadcast_in_dim3A_154 : vector<16xi1>, vector<16xi32>
      %eq3A_156 = vector.broadcast %reduce_max3A_150 : f32 to vector<16xf32>
      %eq3A_157 = arith.cmpf oeq, %select_n3A_133, %eq3A_156 : vector<16xf32>
      %jit3A_158 = arith.constant 64 : i32
      %broadcast_in_dim3A_159 = vector.broadcast %jit3A_158 : i32 to vector<16xi32>
      %select_n3A_160 = arith.select %eq3A_157, %add3A_10, %broadcast_in_dim3A_159 : vector<16xi1>, vector<16xi32>
      %eq3A_161 = vector.broadcast %reduce_max3A_150 : f32 to vector<16xf32>
      %eq3A_162 = arith.cmpf oeq, %select_n3A_138, %eq3A_161 : vector<16xf32>
      %jit3A_163 = arith.constant 64 : i32
      %broadcast_in_dim3A_164 = vector.broadcast %jit3A_163 : i32 to vector<16xi32>
      %select_n3A_165 = arith.select %eq3A_162, %add3A_13, %broadcast_in_dim3A_164 : vector<16xi1>, vector<16xi32>
      %eq3A_166 = vector.broadcast %reduce_max3A_150 : f32 to vector<16xf32>
      %eq3A_167 = arith.cmpf oeq, %select_n3A_143, %eq3A_166 : vector<16xf32>
      %jit3A_168 = arith.constant 64 : i32
      %broadcast_in_dim3A_169 = vector.broadcast %jit3A_168 : i32 to vector<16xi32>
      %select_n3A_170 = arith.select %eq3A_167, %add3A_16, %broadcast_in_dim3A_169 : vector<16xi1>, vector<16xi32>
      %min3A_171 = arith.minsi %select_n3A_155, %select_n3A_160 : vector<16xi32>
      %min3A_172 = arith.minsi %select_n3A_165, %select_n3A_170 : vector<16xi32>
      %min3A_173 = arith.minsi %min3A_171, %min3A_172 : vector<16xi32>
      %reduce_min3A_174 = arith.constant true
      %reduce_min3A_175 = vector.broadcast %reduce_min3A_174 : i1 to vector<16xi1>
      %reduce_min3A_176 = arith.constant -2147483648 : i32
      %reduce_min3A_177 = vector.broadcast %reduce_min3A_176 : i32 to vector<16xi32>
      %reduce_min3A_178 = arith.xori %min3A_173, %reduce_min3A_177 : vector<16xi32>
      %reduce_min3A_179 = tpu.scan <min>, %reduce_min3A_178 masked %reduce_min3A_175 : vector<16xi32>, vector<16xi1> -> vector<16xi32>
      %reduce_min3A_180 = arith.xori %reduce_min3A_179, %reduce_min3A_177 : vector<16xi32>
      %reduce_min3A_181 = vector.extract %reduce_min3A_180[15] : i32 from vector<16xi32>
      %eq3A_182 = vector.broadcast %reduce_min3A_181 : i32 to vector<16xi32>
      %eq3A_183 = arith.cmpi eq, %add3A_7, %eq3A_182 : vector<16xi32>
      %jit3A_184 = arith.constant 0xFF800000 : f32
      %broadcast_in_dim3A_185 = vector.broadcast %jit3A_184 : f32 to vector<16xf32>
      %select_n3A_186 = arith.select %eq3A_183, %broadcast_in_dim3A_185, %select_n3A_128 : vector<16xi1>, vector<16xf32>
      %eq3A_187 = vector.broadcast %reduce_min3A_181 : i32 to vector<16xi32>
      %eq3A_188 = arith.cmpi eq, %add3A_10, %eq3A_187 : vector<16xi32>
      %jit3A_189 = arith.constant 0xFF800000 : f32
      %broadcast_in_dim3A_190 = vector.broadcast %jit3A_189 : f32 to vector<16xf32>
      %select_n3A_191 = arith.select %eq3A_188, %broadcast_in_dim3A_190, %select_n3A_133 : vector<16xi1>, vector<16xf32>
      %eq3A_192 = vector.broadcast %reduce_min3A_181 : i32 to vector<16xi32>
      %eq3A_193 = arith.cmpi eq, %add3A_13, %eq3A_192 : vector<16xi32>
      %jit3A_194 = arith.constant 0xFF800000 : f32
      %broadcast_in_dim3A_195 = vector.broadcast %jit3A_194 : f32 to vector<16xf32>
      %select_n3A_196 = arith.select %eq3A_193, %broadcast_in_dim3A_195, %select_n3A_138 : vector<16xi1>, vector<16xf32>
      %eq3A_197 = vector.broadcast %reduce_min3A_181 : i32 to vector<16xi32>
      %eq3A_198 = arith.cmpi eq, %add3A_16, %eq3A_197 : vector<16xi32>
      %jit3A_199 = arith.constant 0xFF800000 : f32
      %broadcast_in_dim3A_200 = vector.broadcast %jit3A_199 : f32 to vector<16xf32>
      %select_n3A_201 = arith.select %eq3A_198, %broadcast_in_dim3A_200, %select_n3A_143 : vector<16xi1>, vector<16xf32>
      %max3A_202 = arith.maximumf %select_n3A_186, %select_n3A_191 : vector<16xf32>
      %max3A_203 = arith.maximumf %select_n3A_196, %select_n3A_201 : vector<16xf32>
      %max3A_204 = arith.maximumf %max3A_202, %max3A_203 : vector<16xf32>
      %reduce_max3A_205 = arith.constant true
      %reduce_max3A_206 = vector.broadcast %reduce_max3A_205 : i1 to vector<16xi1>
      %reduce_max3A_207 = tpu.scan <max>, %max3A_204 masked %reduce_max3A_206 : vector<16xf32>, vector<16xi1> -> vector<16xf32>
      %reduce_max3A_208 = vector.extract %reduce_max3A_207[15] : f32 from vector<16xf32>
      %eq3A_209 = vector.broadcast %reduce_max3A_208 : f32 to vector<16xf32>
      %eq3A_210 = arith.cmpf oeq, %select_n3A_186, %eq3A_209 : vector<16xf32>
      %jit3A_211 = arith.constant 64 : i32
      %broadcast_in_dim3A_212 = vector.broadcast %jit3A_211 : i32 to vector<16xi32>
      %select_n3A_213 = arith.select %eq3A_210, %add3A_7, %broadcast_in_dim3A_212 : vector<16xi1>, vector<16xi32>
      %eq3A_214 = vector.broadcast %reduce_max3A_208 : f32 to vector<16xf32>
      %eq3A_215 = arith.cmpf oeq, %select_n3A_191, %eq3A_214 : vector<16xf32>
      %jit3A_216 = arith.constant 64 : i32
      %broadcast_in_dim3A_217 = vector.broadcast %jit3A_216 : i32 to vector<16xi32>
      %select_n3A_218 = arith.select %eq3A_215, %add3A_10, %broadcast_in_dim3A_217 : vector<16xi1>, vector<16xi32>
      %eq3A_219 = vector.broadcast %reduce_max3A_208 : f32 to vector<16xf32>
      %eq3A_220 = arith.cmpf oeq, %select_n3A_196, %eq3A_219 : vector<16xf32>
      %jit3A_221 = arith.constant 64 : i32
      %broadcast_in_dim3A_222 = vector.broadcast %jit3A_221 : i32 to vector<16xi32>
      %select_n3A_223 = arith.select %eq3A_220, %add3A_13, %broadcast_in_dim3A_222 : vector<16xi1>, vector<16xi32>
      %eq3A_224 = vector.broadcast %reduce_max3A_208 : f32 to vector<16xf32>
      %eq3A_225 = arith.cmpf oeq, %select_n3A_201, %eq3A_224 : vector<16xf32>
      %jit3A_226 = arith.constant 64 : i32
      %broadcast_in_dim3A_227 = vector.broadcast %jit3A_226 : i32 to vector<16xi32>
      %select_n3A_228 = arith.select %eq3A_225, %add3A_16, %broadcast_in_dim3A_227 : vector<16xi1>, vector<16xi32>
      %min3A_229 = arith.minsi %select_n3A_213, %select_n3A_218 : vector<16xi32>
      %min3A_230 = arith.minsi %select_n3A_223, %select_n3A_228 : vector<16xi32>
      %min3A_231 = arith.minsi %min3A_229, %min3A_230 : vector<16xi32>
      %reduce_min3A_232 = arith.constant true
      %reduce_min3A_233 = vector.broadcast %reduce_min3A_232 : i1 to vector<16xi1>
      %reduce_min3A_234 = arith.constant -2147483648 : i32
      %reduce_min3A_235 = vector.broadcast %reduce_min3A_234 : i32 to vector<16xi32>
      %reduce_min3A_236 = arith.xori %min3A_231, %reduce_min3A_235 : vector<16xi32>
      %reduce_min3A_237 = tpu.scan <min>, %reduce_min3A_236 masked %reduce_min3A_233 : vector<16xi32>, vector<16xi1> -> vector<16xi32>
      %reduce_min3A_238 = arith.xori %reduce_min3A_237, %reduce_min3A_235 : vector<16xi32>
      %reduce_min3A_239 = vector.extract %reduce_min3A_238[15] : i32 from vector<16xi32>
      %eq3A_240 = vector.broadcast %reduce_min3A_239 : i32 to vector<16xi32>
      %eq3A_241 = arith.cmpi eq, %add3A_7, %eq3A_240 : vector<16xi32>
      %jit3A_242 = arith.constant 0xFF800000 : f32
      %broadcast_in_dim3A_243 = vector.broadcast %jit3A_242 : f32 to vector<16xf32>
      %select_n3A_244 = arith.select %eq3A_241, %broadcast_in_dim3A_243, %select_n3A_186 : vector<16xi1>, vector<16xf32>
      %eq3A_245 = vector.broadcast %reduce_min3A_239 : i32 to vector<16xi32>
      %eq3A_246 = arith.cmpi eq, %add3A_10, %eq3A_245 : vector<16xi32>
      %jit3A_247 = arith.constant 0xFF800000 : f32
      %broadcast_in_dim3A_248 = vector.broadcast %jit3A_247 : f32 to vector<16xf32>
      %select_n3A_249 = arith.select %eq3A_246, %broadcast_in_dim3A_248, %select_n3A_191 : vector<16xi1>, vector<16xf32>
      %eq3A_250 = vector.broadcast %reduce_min3A_239 : i32 to vector<16xi32>
      %eq3A_251 = arith.cmpi eq, %add3A_13, %eq3A_250 : vector<16xi32>
      %jit3A_252 = arith.constant 0xFF800000 : f32
      %broadcast_in_dim3A_253 = vector.broadcast %jit3A_252 : f32 to vector<16xf32>
      %select_n3A_254 = arith.select %eq3A_251, %broadcast_in_dim3A_253, %select_n3A_196 : vector<16xi1>, vector<16xf32>
      %eq3A_255 = vector.broadcast %reduce_min3A_239 : i32 to vector<16xi32>
      %eq3A_256 = arith.cmpi eq, %add3A_16, %eq3A_255 : vector<16xi32>
      %jit3A_257 = arith.constant 0xFF800000 : f32
      %broadcast_in_dim3A_258 = vector.broadcast %jit3A_257 : f32 to vector<16xf32>
      %select_n3A_259 = arith.select %eq3A_256, %broadcast_in_dim3A_258, %select_n3A_201 : vector<16xi1>, vector<16xf32>
      %max3A_260 = arith.maximumf %select_n3A_244, %select_n3A_249 : vector<16xf32>
      %max3A_261 = arith.maximumf %select_n3A_254, %select_n3A_259 : vector<16xf32>
      %max3A_262 = arith.maximumf %max3A_260, %max3A_261 : vector<16xf32>
      %reduce_max3A_263 = arith.constant true
      %reduce_max3A_264 = vector.broadcast %reduce_max3A_263 : i1 to vector<16xi1>
      %reduce_max3A_265 = tpu.scan <max>, %max3A_262 masked %reduce_max3A_264 : vector<16xf32>, vector<16xi1> -> vector<16xf32>
      %reduce_max3A_266 = vector.extract %reduce_max3A_265[15] : f32 from vector<16xf32>
      %eq3A_267 = vector.broadcast %reduce_max3A_266 : f32 to vector<16xf32>
      %eq3A_268 = arith.cmpf oeq, %select_n3A_244, %eq3A_267 : vector<16xf32>
      %jit3A_269 = arith.constant 64 : i32
      %broadcast_in_dim3A_270 = vector.broadcast %jit3A_269 : i32 to vector<16xi32>
      %select_n3A_271 = arith.select %eq3A_268, %add3A_7, %broadcast_in_dim3A_270 : vector<16xi1>, vector<16xi32>
      %eq3A_272 = vector.broadcast %reduce_max3A_266 : f32 to vector<16xf32>
      %eq3A_273 = arith.cmpf oeq, %select_n3A_249, %eq3A_272 : vector<16xf32>
      %jit3A_274 = arith.constant 64 : i32
      %broadcast_in_dim3A_275 = vector.broadcast %jit3A_274 : i32 to vector<16xi32>
      %select_n3A_276 = arith.select %eq3A_273, %add3A_10, %broadcast_in_dim3A_275 : vector<16xi1>, vector<16xi32>
      %eq3A_277 = vector.broadcast %reduce_max3A_266 : f32 to vector<16xf32>
      %eq3A_278 = arith.cmpf oeq, %select_n3A_254, %eq3A_277 : vector<16xf32>
      %jit3A_279 = arith.constant 64 : i32
      %broadcast_in_dim3A_280 = vector.broadcast %jit3A_279 : i32 to vector<16xi32>
      %select_n3A_281 = arith.select %eq3A_278, %add3A_13, %broadcast_in_dim3A_280 : vector<16xi1>, vector<16xi32>
      %eq3A_282 = vector.broadcast %reduce_max3A_266 : f32 to vector<16xf32>
      %eq3A_283 = arith.cmpf oeq, %select_n3A_259, %eq3A_282 : vector<16xf32>
      %jit3A_284 = arith.constant 64 : i32
      %broadcast_in_dim3A_285 = vector.broadcast %jit3A_284 : i32 to vector<16xi32>
      %select_n3A_286 = arith.select %eq3A_283, %add3A_16, %broadcast_in_dim3A_285 : vector<16xi1>, vector<16xi32>
      %min3A_287 = arith.minsi %select_n3A_271, %select_n3A_276 : vector<16xi32>
      %min3A_288 = arith.minsi %select_n3A_281, %select_n3A_286 : vector<16xi32>
      %min3A_289 = arith.minsi %min3A_287, %min3A_288 : vector<16xi32>
      %reduce_min3A_290 = arith.constant true
      %reduce_min3A_291 = vector.broadcast %reduce_min3A_290 : i1 to vector<16xi1>
      %reduce_min3A_292 = arith.constant -2147483648 : i32
      %reduce_min3A_293 = vector.broadcast %reduce_min3A_292 : i32 to vector<16xi32>
      %reduce_min3A_294 = arith.xori %min3A_289, %reduce_min3A_293 : vector<16xi32>
      %reduce_min3A_295 = tpu.scan <min>, %reduce_min3A_294 masked %reduce_min3A_291 : vector<16xi32>, vector<16xi1> -> vector<16xi32>
      %reduce_min3A_296 = arith.xori %reduce_min3A_295, %reduce_min3A_293 : vector<16xi32>
      %reduce_min3A_297 = vector.extract %reduce_min3A_296[15] : i32 from vector<16xi32>
      %eq3A_298 = vector.broadcast %reduce_min3A_297 : i32 to vector<16xi32>
      %eq3A_299 = arith.cmpi eq, %add3A_7, %eq3A_298 : vector<16xi32>
      %jit3A_300 = arith.constant 0xFF800000 : f32
      %broadcast_in_dim3A_301 = vector.broadcast %jit3A_300 : f32 to vector<16xf32>
      %select_n3A_302 = arith.select %eq3A_299, %broadcast_in_dim3A_301, %select_n3A_244 : vector<16xi1>, vector<16xf32>
      %eq3A_303 = vector.broadcast %reduce_min3A_297 : i32 to vector<16xi32>
      %eq3A_304 = arith.cmpi eq, %add3A_10, %eq3A_303 : vector<16xi32>
      %jit3A_305 = arith.constant 0xFF800000 : f32
      %broadcast_in_dim3A_306 = vector.broadcast %jit3A_305 : f32 to vector<16xf32>
      %select_n3A_307 = arith.select %eq3A_304, %broadcast_in_dim3A_306, %select_n3A_249 : vector<16xi1>, vector<16xf32>
      %eq3A_308 = vector.broadcast %reduce_min3A_297 : i32 to vector<16xi32>
      %eq3A_309 = arith.cmpi eq, %add3A_13, %eq3A_308 : vector<16xi32>
      %jit3A_310 = arith.constant 0xFF800000 : f32
      %broadcast_in_dim3A_311 = vector.broadcast %jit3A_310 : f32 to vector<16xf32>
      %select_n3A_312 = arith.select %eq3A_309, %broadcast_in_dim3A_311, %select_n3A_254 : vector<16xi1>, vector<16xf32>
      %eq3A_313 = vector.broadcast %reduce_min3A_297 : i32 to vector<16xi32>
      %eq3A_314 = arith.cmpi eq, %add3A_16, %eq3A_313 : vector<16xi32>
      %jit3A_315 = arith.constant 0xFF800000 : f32
      %broadcast_in_dim3A_316 = vector.broadcast %jit3A_315 : f32 to vector<16xf32>
      %select_n3A_317 = arith.select %eq3A_314, %broadcast_in_dim3A_316, %select_n3A_259 : vector<16xi1>, vector<16xf32>
      %max3A_318 = arith.maximumf %select_n3A_302, %select_n3A_307 : vector<16xf32>
      %max3A_319 = arith.maximumf %select_n3A_312, %select_n3A_317 : vector<16xf32>
      %max3A_320 = arith.maximumf %max3A_318, %max3A_319 : vector<16xf32>
      %reduce_max3A_321 = arith.constant true
      %reduce_max3A_322 = vector.broadcast %reduce_max3A_321 : i1 to vector<16xi1>
      %reduce_max3A_323 = tpu.scan <max>, %max3A_320 masked %reduce_max3A_322 : vector<16xf32>, vector<16xi1> -> vector<16xf32>
      %reduce_max3A_324 = vector.extract %reduce_max3A_323[15] : f32 from vector<16xf32>
      %eq3A_325 = vector.broadcast %reduce_max3A_324 : f32 to vector<16xf32>
      %eq3A_326 = arith.cmpf oeq, %select_n3A_302, %eq3A_325 : vector<16xf32>
      %jit3A_327 = arith.constant 64 : i32
      %broadcast_in_dim3A_328 = vector.broadcast %jit3A_327 : i32 to vector<16xi32>
      %select_n3A_329 = arith.select %eq3A_326, %add3A_7, %broadcast_in_dim3A_328 : vector<16xi1>, vector<16xi32>
      %eq3A_330 = vector.broadcast %reduce_max3A_324 : f32 to vector<16xf32>
      %eq3A_331 = arith.cmpf oeq, %select_n3A_307, %eq3A_330 : vector<16xf32>
      %jit3A_332 = arith.constant 64 : i32
      %broadcast_in_dim3A_333 = vector.broadcast %jit3A_332 : i32 to vector<16xi32>
      %select_n3A_334 = arith.select %eq3A_331, %add3A_10, %broadcast_in_dim3A_333 : vector<16xi1>, vector<16xi32>
      %eq3A_335 = vector.broadcast %reduce_max3A_324 : f32 to vector<16xf32>
      %eq3A_336 = arith.cmpf oeq, %select_n3A_312, %eq3A_335 : vector<16xf32>
      %jit3A_337 = arith.constant 64 : i32
      %broadcast_in_dim3A_338 = vector.broadcast %jit3A_337 : i32 to vector<16xi32>
      %select_n3A_339 = arith.select %eq3A_336, %add3A_13, %broadcast_in_dim3A_338 : vector<16xi1>, vector<16xi32>
      %eq3A_340 = vector.broadcast %reduce_max3A_324 : f32 to vector<16xf32>
      %eq3A_341 = arith.cmpf oeq, %select_n3A_317, %eq3A_340 : vector<16xf32>
      %jit3A_342 = arith.constant 64 : i32
      %broadcast_in_dim3A_343 = vector.broadcast %jit3A_342 : i32 to vector<16xi32>
      %select_n3A_344 = arith.select %eq3A_341, %add3A_16, %broadcast_in_dim3A_343 : vector<16xi1>, vector<16xi32>
      %min3A_345 = arith.minsi %select_n3A_329, %select_n3A_334 : vector<16xi32>
      %min3A_346 = arith.minsi %select_n3A_339, %select_n3A_344 : vector<16xi32>
      %min3A_347 = arith.minsi %min3A_345, %min3A_346 : vector<16xi32>
      %reduce_min3A_348 = arith.constant true
      %reduce_min3A_349 = vector.broadcast %reduce_min3A_348 : i1 to vector<16xi1>
      %reduce_min3A_350 = arith.constant -2147483648 : i32
      %reduce_min3A_351 = vector.broadcast %reduce_min3A_350 : i32 to vector<16xi32>
      %reduce_min3A_352 = arith.xori %min3A_347, %reduce_min3A_351 : vector<16xi32>
      %reduce_min3A_353 = tpu.scan <min>, %reduce_min3A_352 masked %reduce_min3A_349 : vector<16xi32>, vector<16xi1> -> vector<16xi32>
      %reduce_min3A_354 = arith.xori %reduce_min3A_353, %reduce_min3A_351 : vector<16xi32>
      %reduce_min3A_355 = vector.extract %reduce_min3A_354[15] : i32 from vector<16xi32>
      %eq3A_356 = vector.broadcast %reduce_min3A_355 : i32 to vector<16xi32>
      %eq3A_357 = arith.cmpi eq, %add3A_7, %eq3A_356 : vector<16xi32>
      %jit3A_358 = arith.constant 0xFF800000 : f32
      %broadcast_in_dim3A_359 = vector.broadcast %jit3A_358 : f32 to vector<16xf32>
      %select_n3A_360 = arith.select %eq3A_357, %broadcast_in_dim3A_359, %select_n3A_302 : vector<16xi1>, vector<16xf32>
      %eq3A_361 = vector.broadcast %reduce_min3A_355 : i32 to vector<16xi32>
      %eq3A_362 = arith.cmpi eq, %add3A_10, %eq3A_361 : vector<16xi32>
      %jit3A_363 = arith.constant 0xFF800000 : f32
      %broadcast_in_dim3A_364 = vector.broadcast %jit3A_363 : f32 to vector<16xf32>
      %select_n3A_365 = arith.select %eq3A_362, %broadcast_in_dim3A_364, %select_n3A_307 : vector<16xi1>, vector<16xf32>
      %eq3A_366 = vector.broadcast %reduce_min3A_355 : i32 to vector<16xi32>
      %eq3A_367 = arith.cmpi eq, %add3A_13, %eq3A_366 : vector<16xi32>
      %jit3A_368 = arith.constant 0xFF800000 : f32
      %broadcast_in_dim3A_369 = vector.broadcast %jit3A_368 : f32 to vector<16xf32>
      %select_n3A_370 = arith.select %eq3A_367, %broadcast_in_dim3A_369, %select_n3A_312 : vector<16xi1>, vector<16xf32>
      %eq3A_371 = vector.broadcast %reduce_min3A_355 : i32 to vector<16xi32>
      %eq3A_372 = arith.cmpi eq, %add3A_16, %eq3A_371 : vector<16xi32>
      %jit3A_373 = arith.constant 0xFF800000 : f32
      %broadcast_in_dim3A_374 = vector.broadcast %jit3A_373 : f32 to vector<16xf32>
      %select_n3A_375 = arith.select %eq3A_372, %broadcast_in_dim3A_374, %select_n3A_317 : vector<16xi1>, vector<16xf32>
      %max3A_376 = arith.maximumf %select_n3A_360, %select_n3A_365 : vector<16xf32>
      %max3A_377 = arith.maximumf %select_n3A_370, %select_n3A_375 : vector<16xf32>
      %max3A_378 = arith.maximumf %max3A_376, %max3A_377 : vector<16xf32>
      %reduce_max3A_379 = arith.constant true
      %reduce_max3A_380 = vector.broadcast %reduce_max3A_379 : i1 to vector<16xi1>
      %reduce_max3A_381 = tpu.scan <max>, %max3A_378 masked %reduce_max3A_380 : vector<16xf32>, vector<16xi1> -> vector<16xf32>
      %reduce_max3A_382 = vector.extract %reduce_max3A_381[15] : f32 from vector<16xf32>
      %eq3A_383 = vector.broadcast %reduce_max3A_382 : f32 to vector<16xf32>
      %eq3A_384 = arith.cmpf oeq, %select_n3A_360, %eq3A_383 : vector<16xf32>
      %jit3A_385 = arith.constant 64 : i32
      %broadcast_in_dim3A_386 = vector.broadcast %jit3A_385 : i32 to vector<16xi32>
      %select_n3A_387 = arith.select %eq3A_384, %add3A_7, %broadcast_in_dim3A_386 : vector<16xi1>, vector<16xi32>
      %eq3A_388 = vector.broadcast %reduce_max3A_382 : f32 to vector<16xf32>
      %eq3A_389 = arith.cmpf oeq, %select_n3A_365, %eq3A_388 : vector<16xf32>
      %jit3A_390 = arith.constant 64 : i32
      %broadcast_in_dim3A_391 = vector.broadcast %jit3A_390 : i32 to vector<16xi32>
      %select_n3A_392 = arith.select %eq3A_389, %add3A_10, %broadcast_in_dim3A_391 : vector<16xi1>, vector<16xi32>
      %eq3A_393 = vector.broadcast %reduce_max3A_382 : f32 to vector<16xf32>
      %eq3A_394 = arith.cmpf oeq, %select_n3A_370, %eq3A_393 : vector<16xf32>
      %jit3A_395 = arith.constant 64 : i32
      %broadcast_in_dim3A_396 = vector.broadcast %jit3A_395 : i32 to vector<16xi32>
      %select_n3A_397 = arith.select %eq3A_394, %add3A_13, %broadcast_in_dim3A_396 : vector<16xi1>, vector<16xi32>
      %eq3A_398 = vector.broadcast %reduce_max3A_382 : f32 to vector<16xf32>
      %eq3A_399 = arith.cmpf oeq, %select_n3A_375, %eq3A_398 : vector<16xf32>
      %jit3A_400 = arith.constant 64 : i32
      %broadcast_in_dim3A_401 = vector.broadcast %jit3A_400 : i32 to vector<16xi32>
      %select_n3A_402 = arith.select %eq3A_399, %add3A_16, %broadcast_in_dim3A_401 : vector<16xi1>, vector<16xi32>
      %min3A_403 = arith.minsi %select_n3A_387, %select_n3A_392 : vector<16xi32>
      %min3A_404 = arith.minsi %select_n3A_397, %select_n3A_402 : vector<16xi32>
      %min3A_405 = arith.minsi %min3A_403, %min3A_404 : vector<16xi32>
      %reduce_min3A_406 = arith.constant true
      %reduce_min3A_407 = vector.broadcast %reduce_min3A_406 : i1 to vector<16xi1>
      %reduce_min3A_408 = arith.constant -2147483648 : i32
      %reduce_min3A_409 = vector.broadcast %reduce_min3A_408 : i32 to vector<16xi32>
      %reduce_min3A_410 = arith.xori %min3A_405, %reduce_min3A_409 : vector<16xi32>
      %reduce_min3A_411 = tpu.scan <min>, %reduce_min3A_410 masked %reduce_min3A_407 : vector<16xi32>, vector<16xi1> -> vector<16xi32>
      %reduce_min3A_412 = arith.xori %reduce_min3A_411, %reduce_min3A_409 : vector<16xi32>
      %reduce_min3A_413 = vector.extract %reduce_min3A_412[15] : i32 from vector<16xi32>
      %eq3A_414 = vector.broadcast %reduce_min3A_413 : i32 to vector<16xi32>
      %eq3A_415 = arith.cmpi eq, %add3A_7, %eq3A_414 : vector<16xi32>
      %jit3A_416 = arith.constant 0xFF800000 : f32
      %broadcast_in_dim3A_417 = vector.broadcast %jit3A_416 : f32 to vector<16xf32>
      %select_n3A_418 = arith.select %eq3A_415, %broadcast_in_dim3A_417, %select_n3A_360 : vector<16xi1>, vector<16xf32>
      %eq3A_419 = vector.broadcast %reduce_min3A_413 : i32 to vector<16xi32>
      %eq3A_420 = arith.cmpi eq, %add3A_10, %eq3A_419 : vector<16xi32>
      %jit3A_421 = arith.constant 0xFF800000 : f32
      %broadcast_in_dim3A_422 = vector.broadcast %jit3A_421 : f32 to vector<16xf32>
      %select_n3A_423 = arith.select %eq3A_420, %broadcast_in_dim3A_422, %select_n3A_365 : vector<16xi1>, vector<16xf32>
      %eq3A_424 = vector.broadcast %reduce_min3A_413 : i32 to vector<16xi32>
      %eq3A_425 = arith.cmpi eq, %add3A_13, %eq3A_424 : vector<16xi32>
      %jit3A_426 = arith.constant 0xFF800000 : f32
      %broadcast_in_dim3A_427 = vector.broadcast %jit3A_426 : f32 to vector<16xf32>
      %select_n3A_428 = arith.select %eq3A_425, %broadcast_in_dim3A_427, %select_n3A_370 : vector<16xi1>, vector<16xf32>
      %eq3A_429 = vector.broadcast %reduce_min3A_413 : i32 to vector<16xi32>
      %eq3A_430 = arith.cmpi eq, %add3A_16, %eq3A_429 : vector<16xi32>
      %jit3A_431 = arith.constant 0xFF800000 : f32
      %broadcast_in_dim3A_432 = vector.broadcast %jit3A_431 : f32 to vector<16xf32>
      %select_n3A_433 = arith.select %eq3A_430, %broadcast_in_dim3A_432, %select_n3A_375 : vector<16xi1>, vector<16xf32>
      %max3A_434 = arith.maximumf %select_n3A_418, %select_n3A_423 : vector<16xf32>
      %max3A_435 = arith.maximumf %select_n3A_428, %select_n3A_433 : vector<16xf32>
      %max3A_436 = arith.maximumf %max3A_434, %max3A_435 : vector<16xf32>
      %reduce_max3A_437 = arith.constant true
      %reduce_max3A_438 = vector.broadcast %reduce_max3A_437 : i1 to vector<16xi1>
      %reduce_max3A_439 = tpu.scan <max>, %max3A_436 masked %reduce_max3A_438 : vector<16xf32>, vector<16xi1> -> vector<16xf32>
      %reduce_max3A_440 = vector.extract %reduce_max3A_439[15] : f32 from vector<16xf32>
      %eq3A_441 = vector.broadcast %reduce_max3A_440 : f32 to vector<16xf32>
      %eq3A_442 = arith.cmpf oeq, %select_n3A_418, %eq3A_441 : vector<16xf32>
      %jit3A_443 = arith.constant 64 : i32
      %broadcast_in_dim3A_444 = vector.broadcast %jit3A_443 : i32 to vector<16xi32>
      %select_n3A_445 = arith.select %eq3A_442, %add3A_7, %broadcast_in_dim3A_444 : vector<16xi1>, vector<16xi32>
      %eq3A_446 = vector.broadcast %reduce_max3A_440 : f32 to vector<16xf32>
      %eq3A_447 = arith.cmpf oeq, %select_n3A_423, %eq3A_446 : vector<16xf32>
      %jit3A_448 = arith.constant 64 : i32
      %broadcast_in_dim3A_449 = vector.broadcast %jit3A_448 : i32 to vector<16xi32>
      %select_n3A_450 = arith.select %eq3A_447, %add3A_10, %broadcast_in_dim3A_449 : vector<16xi1>, vector<16xi32>
      %eq3A_451 = vector.broadcast %reduce_max3A_440 : f32 to vector<16xf32>
      %eq3A_452 = arith.cmpf oeq, %select_n3A_428, %eq3A_451 : vector<16xf32>
      %jit3A_453 = arith.constant 64 : i32
      %broadcast_in_dim3A_454 = vector.broadcast %jit3A_453 : i32 to vector<16xi32>
      %select_n3A_455 = arith.select %eq3A_452, %add3A_13, %broadcast_in_dim3A_454 : vector<16xi1>, vector<16xi32>
      %eq3A_456 = vector.broadcast %reduce_max3A_440 : f32 to vector<16xf32>
      %eq3A_457 = arith.cmpf oeq, %select_n3A_433, %eq3A_456 : vector<16xf32>
      %jit3A_458 = arith.constant 64 : i32
      %broadcast_in_dim3A_459 = vector.broadcast %jit3A_458 : i32 to vector<16xi32>
      %select_n3A_460 = arith.select %eq3A_457, %add3A_16, %broadcast_in_dim3A_459 : vector<16xi1>, vector<16xi32>
      %min3A_461 = arith.minsi %select_n3A_445, %select_n3A_450 : vector<16xi32>
      %min3A_462 = arith.minsi %select_n3A_455, %select_n3A_460 : vector<16xi32>
      %min3A_463 = arith.minsi %min3A_461, %min3A_462 : vector<16xi32>
      %reduce_min3A_464 = arith.constant true
      %reduce_min3A_465 = vector.broadcast %reduce_min3A_464 : i1 to vector<16xi1>
      %reduce_min3A_466 = arith.constant -2147483648 : i32
      %reduce_min3A_467 = vector.broadcast %reduce_min3A_466 : i32 to vector<16xi32>
      %reduce_min3A_468 = arith.xori %min3A_463, %reduce_min3A_467 : vector<16xi32>
      %reduce_min3A_469 = tpu.scan <min>, %reduce_min3A_468 masked %reduce_min3A_465 : vector<16xi32>, vector<16xi1> -> vector<16xi32>
      %reduce_min3A_470 = arith.xori %reduce_min3A_469, %reduce_min3A_467 : vector<16xi32>
      %reduce_min3A_471 = vector.extract %reduce_min3A_470[15] : i32 from vector<16xi32>
      %eq3A_472 = vector.broadcast %reduce_min3A_471 : i32 to vector<16xi32>
      %eq3A_473 = arith.cmpi eq, %add3A_7, %eq3A_472 : vector<16xi32>
      %jit3A_474 = arith.constant 0xFF800000 : f32
      %broadcast_in_dim3A_475 = vector.broadcast %jit3A_474 : f32 to vector<16xf32>
      %select_n3A_476 = arith.select %eq3A_473, %broadcast_in_dim3A_475, %select_n3A_418 : vector<16xi1>, vector<16xf32>
      %eq3A_477 = vector.broadcast %reduce_min3A_471 : i32 to vector<16xi32>
      %eq3A_478 = arith.cmpi eq, %add3A_10, %eq3A_477 : vector<16xi32>
      %jit3A_479 = arith.constant 0xFF800000 : f32
      %broadcast_in_dim3A_480 = vector.broadcast %jit3A_479 : f32 to vector<16xf32>
      %select_n3A_481 = arith.select %eq3A_478, %broadcast_in_dim3A_480, %select_n3A_423 : vector<16xi1>, vector<16xf32>
      %eq3A_482 = vector.broadcast %reduce_min3A_471 : i32 to vector<16xi32>
      %eq3A_483 = arith.cmpi eq, %add3A_13, %eq3A_482 : vector<16xi32>
      %jit3A_484 = arith.constant 0xFF800000 : f32
      %broadcast_in_dim3A_485 = vector.broadcast %jit3A_484 : f32 to vector<16xf32>
      %select_n3A_486 = arith.select %eq3A_483, %broadcast_in_dim3A_485, %select_n3A_428 : vector<16xi1>, vector<16xf32>
      %eq3A_487 = vector.broadcast %reduce_min3A_471 : i32 to vector<16xi32>
      %eq3A_488 = arith.cmpi eq, %add3A_16, %eq3A_487 : vector<16xi32>
      %jit3A_489 = arith.constant 0xFF800000 : f32
      %broadcast_in_dim3A_490 = vector.broadcast %jit3A_489 : f32 to vector<16xf32>
      %select_n3A_491 = arith.select %eq3A_488, %broadcast_in_dim3A_490, %select_n3A_433 : vector<16xi1>, vector<16xf32>
      %broadcast_in_dim3A_492 = arith.constant 0.000000e+00 : f32
      %broadcast_in_dim3A_493 = vector.broadcast %broadcast_in_dim3A_492 : f32 to vector<16xf32>
      %broadcast_in_dim3A_494 = arith.constant 0 : i32
      %broadcast_in_dim3A_495 = vector.broadcast %broadcast_in_dim3A_494 : i32 to vector<16xi32>
      %eq3A_496 = arith.constant 0 : i32
      %eq3A_497 = vector.broadcast %eq3A_496 : i32 to vector<16xi32>
      %eq3A_498 = arith.cmpi eq, %iota3A, %eq3A_497 : vector<16xi32>
      %broadcast_in_dim3A_499 = vector.broadcast %reduce_max3A_40 : f32 to vector<16xf32>
      %select_n3A_500 = arith.select %eq3A_498, %broadcast_in_dim3A_499, %broadcast_in_dim3A_493 : vector<16xi1>, vector<16xf32>
      %eq3A_501 = arith.constant 0 : i32
      %eq3A_502 = vector.broadcast %eq3A_501 : i32 to vector<16xi32>
      %eq3A_503 = arith.cmpi eq, %iota3A, %eq3A_502 : vector<16xi32>
      %broadcast_in_dim3A_504 = vector.broadcast %reduce_min3A_65 : i32 to vector<16xi32>
      %select_n3A_505 = arith.select %eq3A_503, %broadcast_in_dim3A_504, %broadcast_in_dim3A_495 : vector<16xi1>, vector<16xi32>
      %eq3A_506 = arith.constant 1 : i32
      %eq3A_507 = vector.broadcast %eq3A_506 : i32 to vector<16xi32>
      %eq3A_508 = arith.cmpi eq, %iota3A, %eq3A_507 : vector<16xi32>
      %broadcast_in_dim3A_509 = vector.broadcast %reduce_max3A_92 : f32 to vector<16xf32>
      %select_n3A_510 = arith.select %eq3A_508, %broadcast_in_dim3A_509, %select_n3A_500 : vector<16xi1>, vector<16xf32>
      %eq3A_511 = arith.constant 1 : i32
      %eq3A_512 = vector.broadcast %eq3A_511 : i32 to vector<16xi32>
      %eq3A_513 = arith.cmpi eq, %iota3A, %eq3A_512 : vector<16xi32>
      %broadcast_in_dim3A_514 = vector.broadcast %reduce_min3A_123 : i32 to vector<16xi32>
      %select_n3A_515 = arith.select %eq3A_513, %broadcast_in_dim3A_514, %select_n3A_505 : vector<16xi1>, vector<16xi32>
      %eq3A_516 = arith.constant 2 : i32
      %eq3A_517 = vector.broadcast %eq3A_516 : i32 to vector<16xi32>
      %eq3A_518 = arith.cmpi eq, %iota3A, %eq3A_517 : vector<16xi32>
      %broadcast_in_dim3A_519 = vector.broadcast %reduce_max3A_150 : f32 to vector<16xf32>
      %select_n3A_520 = arith.select %eq3A_518, %broadcast_in_dim3A_519, %select_n3A_510 : vector<16xi1>, vector<16xf32>
      %eq3A_521 = arith.constant 2 : i32
      %eq3A_522 = vector.broadcast %eq3A_521 : i32 to vector<16xi32>
      %eq3A_523 = arith.cmpi eq, %iota3A, %eq3A_522 : vector<16xi32>
      %broadcast_in_dim3A_524 = vector.broadcast %reduce_min3A_181 : i32 to vector<16xi32>
      %select_n3A_525 = arith.select %eq3A_523, %broadcast_in_dim3A_524, %select_n3A_515 : vector<16xi1>, vector<16xi32>
      %eq3A_526 = arith.constant 3 : i32
      %eq3A_527 = vector.broadcast %eq3A_526 : i32 to vector<16xi32>
      %eq3A_528 = arith.cmpi eq, %iota3A, %eq3A_527 : vector<16xi32>
      %broadcast_in_dim3A_529 = vector.broadcast %reduce_max3A_208 : f32 to vector<16xf32>
      %select_n3A_530 = arith.select %eq3A_528, %broadcast_in_dim3A_529, %select_n3A_520 : vector<16xi1>, vector<16xf32>
      %eq3A_531 = arith.constant 3 : i32
      %eq3A_532 = vector.broadcast %eq3A_531 : i32 to vector<16xi32>
      %eq3A_533 = arith.cmpi eq, %iota3A, %eq3A_532 : vector<16xi32>
      %broadcast_in_dim3A_534 = vector.broadcast %reduce_min3A_239 : i32 to vector<16xi32>
      %select_n3A_535 = arith.select %eq3A_533, %broadcast_in_dim3A_534, %select_n3A_525 : vector<16xi1>, vector<16xi32>
      %eq3A_536 = arith.constant 4 : i32
      %eq3A_537 = vector.broadcast %eq3A_536 : i32 to vector<16xi32>
      %eq3A_538 = arith.cmpi eq, %iota3A, %eq3A_537 : vector<16xi32>
      %broadcast_in_dim3A_539 = vector.broadcast %reduce_max3A_266 : f32 to vector<16xf32>
      %select_n3A_540 = arith.select %eq3A_538, %broadcast_in_dim3A_539, %select_n3A_530 : vector<16xi1>, vector<16xf32>
      %eq3A_541 = arith.constant 4 : i32
      %eq3A_542 = vector.broadcast %eq3A_541 : i32 to vector<16xi32>
      %eq3A_543 = arith.cmpi eq, %iota3A, %eq3A_542 : vector<16xi32>
      %broadcast_in_dim3A_544 = vector.broadcast %reduce_min3A_297 : i32 to vector<16xi32>
      %select_n3A_545 = arith.select %eq3A_543, %broadcast_in_dim3A_544, %select_n3A_535 : vector<16xi1>, vector<16xi32>
      %eq3A_546 = arith.constant 5 : i32
      %eq3A_547 = vector.broadcast %eq3A_546 : i32 to vector<16xi32>
      %eq3A_548 = arith.cmpi eq, %iota3A, %eq3A_547 : vector<16xi32>
      %broadcast_in_dim3A_549 = vector.broadcast %reduce_max3A_324 : f32 to vector<16xf32>
      %select_n3A_550 = arith.select %eq3A_548, %broadcast_in_dim3A_549, %select_n3A_540 : vector<16xi1>, vector<16xf32>
      %eq3A_551 = arith.constant 5 : i32
      %eq3A_552 = vector.broadcast %eq3A_551 : i32 to vector<16xi32>
      %eq3A_553 = arith.cmpi eq, %iota3A, %eq3A_552 : vector<16xi32>
      %broadcast_in_dim3A_554 = vector.broadcast %reduce_min3A_355 : i32 to vector<16xi32>
      %select_n3A_555 = arith.select %eq3A_553, %broadcast_in_dim3A_554, %select_n3A_545 : vector<16xi1>, vector<16xi32>
      %eq3A_556 = arith.constant 6 : i32
      %eq3A_557 = vector.broadcast %eq3A_556 : i32 to vector<16xi32>
      %eq3A_558 = arith.cmpi eq, %iota3A, %eq3A_557 : vector<16xi32>
      %broadcast_in_dim3A_559 = vector.broadcast %reduce_max3A_382 : f32 to vector<16xf32>
      %select_n3A_560 = arith.select %eq3A_558, %broadcast_in_dim3A_559, %select_n3A_550 : vector<16xi1>, vector<16xf32>
      %eq3A_561 = arith.constant 6 : i32
      %eq3A_562 = vector.broadcast %eq3A_561 : i32 to vector<16xi32>
      %eq3A_563 = arith.cmpi eq, %iota3A, %eq3A_562 : vector<16xi32>
      %broadcast_in_dim3A_564 = vector.broadcast %reduce_min3A_413 : i32 to vector<16xi32>
      %select_n3A_565 = arith.select %eq3A_563, %broadcast_in_dim3A_564, %select_n3A_555 : vector<16xi1>, vector<16xi32>
      %eq3A_566 = arith.constant 7 : i32
      %eq3A_567 = vector.broadcast %eq3A_566 : i32 to vector<16xi32>
      %eq3A_568 = arith.cmpi eq, %iota3A, %eq3A_567 : vector<16xi32>
      %broadcast_in_dim3A_569 = vector.broadcast %reduce_max3A_440 : f32 to vector<16xf32>
      %select_n3A_570 = arith.select %eq3A_568, %broadcast_in_dim3A_569, %select_n3A_560 : vector<16xi1>, vector<16xf32>
      %eq3A_571 = arith.constant 7 : i32
      %eq3A_572 = vector.broadcast %eq3A_571 : i32 to vector<16xi32>
      %eq3A_573 = arith.cmpi eq, %iota3A, %eq3A_572 : vector<16xi32>
      %broadcast_in_dim3A_574 = vector.broadcast %reduce_min3A_471 : i32 to vector<16xi32>
      %select_n3A_575 = arith.select %eq3A_573, %broadcast_in_dim3A_574, %select_n3A_565 : vector<16xi1>, vector<16xi32>
      %sub3A = vector.broadcast %reduce_max3A_40 : f32 to vector<16xf32>
      %sub3A_576 = arith.subf %get3A_26, %sub3A : vector<16xf32>
      %exp3A = math.exp %sub3A_576 : vector<16xf32>
      %sub3A_577 = vector.broadcast %reduce_max3A_40 : f32 to vector<16xf32>
      %sub3A_578 = arith.subf %get3A_29, %sub3A_577 : vector<16xf32>
      %exp3A_579 = math.exp %sub3A_578 : vector<16xf32>
      %sub3A_580 = vector.broadcast %reduce_max3A_40 : f32 to vector<16xf32>
      %sub3A_581 = arith.subf %get3A_32, %sub3A_580 : vector<16xf32>
      %exp3A_582 = math.exp %sub3A_581 : vector<16xf32>
      %sub3A_583 = vector.broadcast %reduce_max3A_40 : f32 to vector<16xf32>
      %sub3A_584 = arith.subf %get3A_35, %sub3A_583 : vector<16xf32>
      %exp3A_585 = math.exp %sub3A_584 : vector<16xf32>
      %add3A_586 = arith.addf %exp3A, %exp3A_579 : vector<16xf32>
      %add3A_587 = arith.addf %add3A_586, %exp3A_582 : vector<16xf32>
      %add3A_588 = arith.addf %add3A_587, %exp3A_585 : vector<16xf32>
      %reduce_sum3A = arith.constant true
      %reduce_sum3A_589 = vector.broadcast %reduce_sum3A : i1 to vector<16xi1>
      %reduce_sum3A_590 = tpu.scan <sum>, %add3A_588 masked %reduce_sum3A_589 : vector<16xf32>, vector<16xi1> -> vector<16xf32>
      %reduce_sum3A_591 = vector.extract %reduce_sum3A_590[15] : f32 from vector<16xf32>
      %sub3A_592 = vector.broadcast %reduce_max3A_40 : f32 to vector<16xf32>
      %sub3A_593 = arith.subf %select_n3A_570, %sub3A_592 : vector<16xf32>
      %exp3A_594 = math.exp %sub3A_593 : vector<16xf32>
      %jit3A_595 = arith.constant 0.000000e+00 : f32
      %broadcast_in_dim3A_596 = vector.broadcast %jit3A_595 : f32 to vector<16xf32>
      %select_n3A_597 = arith.select %lt3A_4, %exp3A_594, %broadcast_in_dim3A_596 : vector<16xi1>, vector<16xf32>
      %reduce_sum3A_598 = arith.constant true
      %reduce_sum3A_599 = vector.broadcast %reduce_sum3A_598 : i1 to vector<16xi1>
      %reduce_sum3A_600 = tpu.scan <sum>, %select_n3A_597 masked %reduce_sum3A_599 : vector<16xf32>, vector<16xi1> -> vector<16xf32>
      %reduce_sum3A_601 = vector.extract %reduce_sum3A_600[15] : f32 from vector<16xf32>
      %mul3A_602 = arith.constant 9.99999993E-9 : f32
      %mul3A_603 = arith.mulf %mul3A_602, %reduce_sum3A_591 : f32
      %add3A_604 = arith.addf %reduce_sum3A_601, %mul3A_603 : f32
      %div3A = vector.broadcast %add3A_604 : f32 to vector<16xf32>
      %div3A_605 = arith.divf %exp3A_594, %div3A : vector<16xf32>
      %swap3A = arith.index_cast %scan3A_23 : i32 to index
      %swap3A_606 = arith.constant 0 : index
      %swap3A_607 = tpu.vector_load %arg7[%swap3A, %swap3A_606] {strides = array<i32>} : memref<512x16xf32, #tpu.memory_space<vmem>>, vector<16xf32>,
      tpu.vector_store %arg7[%swap3A, %swap3A_606], %div3A_605 {strides = array<i32>} : memref<512x16xf32, #tpu.memory_space<vmem>>, vector<16xf32>,
      %swap3A_608 = arith.index_cast %scan3A_23 : i32 to index
      %swap3A_609 = arith.constant 0 : index
      %swap3A_610 = tpu.vector_load %arg8[%swap3A_608, %swap3A_609] {strides = array<i32>} : memref<512x16xi32, #tpu.memory_space<vmem>>, vector<16xi32>,
      tpu.vector_store %arg8[%swap3A_608, %swap3A_609], %select_n3A_575 {strides = array<i32>} : memref<512x16xi32, #tpu.memory_space<vmem>>, vector<16xi32>,
      %gt3A = vector.broadcast %reduce_max3A_440 : f32 to vector<16xf32>
      %gt3A_611 = arith.cmpf ogt, %get3A_26, %gt3A : vector<16xf32>
      %eq3A_612 = vector.broadcast %reduce_max3A_440 : f32 to vector<16xf32>
      %eq3A_613 = arith.cmpf oeq, %get3A_26, %eq3A_612 : vector<16xf32>
      %le3A = vector.broadcast %reduce_min3A_471 : i32 to vector<16xi32>
      %le3A_614 = arith.cmpi sle, %add3A_7, %le3A : vector<16xi32>
      %and3A = arith.andi %eq3A_613, %le3A_614 : vector<16xi1>
      %or3A = arith.ori %gt3A_611, %and3A : vector<16xi1>
      %jit3A_615 = arith.constant 1.000000e+00 : f32
      %jit3A_616 = arith.constant 0.000000e+00 : f32
      %broadcast_in_dim3A_617 = vector.broadcast %jit3A_615 : f32 to vector<16xf32>
      %broadcast_in_dim3A_618 = vector.broadcast %jit3A_616 : f32 to vector<16xf32>
      %select_n3A_619 = arith.select %or3A, %broadcast_in_dim3A_617, %broadcast_in_dim3A_618 : vector<16xi1>, vector<16xf32>
      %swap3A_620 = arith.index_cast %scan3A_23 : i32 to index
      %swap3A_621 = arith.constant 0 : index
      %swap3A_622 = tpu.vector_load %arg9[%swap3A_620, %swap3A_621] {strides = array<i32>} : memref<512x64xf32, #tpu.memory_space<vmem>>, vector<16xf32>,
      tpu.vector_store %arg9[%swap3A_620, %swap3A_621], %select_n3A_619 {strides = array<i32>} : memref<512x64xf32, #tpu.memory_space<vmem>>, vector<16xf32>,
      %gt3A_623 = vector.broadcast %reduce_max3A_440 : f32 to vector<16xf32>
      %gt3A_624 = arith.cmpf ogt, %get3A_29, %gt3A_623 : vector<16xf32>
      %eq3A_625 = vector.broadcast %reduce_max3A_440 : f32 to vector<16xf32>
      %eq3A_626 = arith.cmpf oeq, %get3A_29, %eq3A_625 : vector<16xf32>
      %le3A_627 = vector.broadcast %reduce_min3A_471 : i32 to vector<16xi32>
      %le3A_628 = arith.cmpi sle, %add3A_10, %le3A_627 : vector<16xi32>
      %and3A_629 = arith.andi %eq3A_626, %le3A_628 : vector<16xi1>
      %or3A_630 = arith.ori %gt3A_624, %and3A_629 : vector<16xi1>
      %jit3A_631 = arith.constant 1.000000e+00 : f32
      %jit3A_632 = arith.constant 0.000000e+00 : f32
      %broadcast_in_dim3A_633 = vector.broadcast %jit3A_631 : f32 to vector<16xf32>
      %broadcast_in_dim3A_634 = vector.broadcast %jit3A_632 : f32 to vector<16xf32>
      %select_n3A_635 = arith.select %or3A_630, %broadcast_in_dim3A_633, %broadcast_in_dim3A_634 : vector<16xi1>, vector<16xf32>
      %swap3A_636 = arith.index_cast %scan3A_23 : i32 to index
      %swap3A_637 = arith.constant 16 : index
      %swap3A_638 = tpu.vector_load %arg9[%swap3A_636, %swap3A_637] {strides = array<i32>} : memref<512x64xf32, #tpu.memory_space<vmem>>, vector<16xf32>,
      tpu.vector_store %arg9[%swap3A_636, %swap3A_637], %select_n3A_635 {strides = array<i32>} : memref<512x64xf32, #tpu.memory_space<vmem>>, vector<16xf32>,
      %gt3A_639 = vector.broadcast %reduce_max3A_440 : f32 to vector<16xf32>
      %gt3A_640 = arith.cmpf ogt, %get3A_32, %gt3A_639 : vector<16xf32>
      %eq3A_641 = vector.broadcast %reduce_max3A_440 : f32 to vector<16xf32>
      %eq3A_642 = arith.cmpf oeq, %get3A_32, %eq3A_641 : vector<16xf32>
      %le3A_643 = vector.broadcast %reduce_min3A_471 : i32 to vector<16xi32>
      %le3A_644 = arith.cmpi sle, %add3A_13, %le3A_643 : vector<16xi32>
      %and3A_645 = arith.andi %eq3A_642, %le3A_644 : vector<16xi1>
      %or3A_646 = arith.ori %gt3A_640, %and3A_645 : vector<16xi1>
      %jit3A_647 = arith.constant 1.000000e+00 : f32
      %jit3A_648 = arith.constant 0.000000e+00 : f32
      %broadcast_in_dim3A_649 = vector.broadcast %jit3A_647 : f32 to vector<16xf32>
      %broadcast_in_dim3A_650 = vector.broadcast %jit3A_648 : f32 to vector<16xf32>
      %select_n3A_651 = arith.select %or3A_646, %broadcast_in_dim3A_649, %broadcast_in_dim3A_650 : vector<16xi1>, vector<16xf32>
      %swap3A_652 = arith.index_cast %scan3A_23 : i32 to index
      %swap3A_653 = arith.constant 32 : index
      %swap3A_654 = tpu.vector_load %arg9[%swap3A_652, %swap3A_653] {strides = array<i32>} : memref<512x64xf32, #tpu.memory_space<vmem>>, vector<16xf32>,
      tpu.vector_store %arg9[%swap3A_652, %swap3A_653], %select_n3A_651 {strides = array<i32>} : memref<512x64xf32, #tpu.memory_space<vmem>>, vector<16xf32>,
      %gt3A_655 = vector.broadcast %reduce_max3A_440 : f32 to vector<16xf32>
      %gt3A_656 = arith.cmpf ogt, %get3A_35, %gt3A_655 : vector<16xf32>
      %eq3A_657 = vector.broadcast %reduce_max3A_440 : f32 to vector<16xf32>
      %eq3A_658 = arith.cmpf oeq, %get3A_35, %eq3A_657 : vector<16xf32>
      %le3A_659 = vector.broadcast %reduce_min3A_471 : i32 to vector<16xi32>
      %le3A_660 = arith.cmpi sle, %add3A_16, %le3A_659 : vector<16xi32>
      %and3A_661 = arith.andi %eq3A_658, %le3A_660 : vector<16xi1>
      %or3A_662 = arith.ori %gt3A_656, %and3A_661 : vector<16xi1>
      %jit3A_663 = arith.constant 1.000000e+00 : f32
      %jit3A_664 = arith.constant 0.000000e+00 : f32
      %broadcast_in_dim3A_665 = vector.broadcast %jit3A_663 : f32 to vector<16xf32>
      %broadcast_in_dim3A_666 = vector.broadcast %jit3A_664 : f32 to vector<16xf32>
      %select_n3A_667 = arith.select %or3A_662, %broadcast_in_dim3A_665, %broadcast_in_dim3A_666 : vector<16xi1>, vector<16xf32>
      %swap3A_668 = arith.index_cast %scan3A_23 : i32 to index
      %swap3A_669 = arith.constant 48 : index
      %swap3A_670 = tpu.vector_load %arg9[%swap3A_668, %swap3A_669] {strides = array<i32>} : memref<512x64xf32, #tpu.memory_space<vmem>>, vector<16xf32>,
      tpu.vector_store %arg9[%swap3A_668, %swap3A_669], %select_n3A_667 {strides = array<i32>} : memref<512x64xf32, #tpu.memory_space<vmem>>, vector<16xf32>,
      %scan3A_671 = arith.constant 0 : i32
      scf.yield %scan3A_671 : i32
    }
    %scan3A_22 = arith.constant 512 : i32
    "tpu.region"() ({
      %run_scoped3A = tpu.sem_alloc : memref<!tpu.dma_semaphore, #tpu.memory_space<semaphore_mem>>
      %dma_start3A = arith.constant 0 : i32
      %dma_start3A_23 = tpu.memref_slice %arg3[%mul3A_2, %dma_start3A] : memref<16384x16xf32, #tpu.memory_space<hbm>> -> memref<512x16xf32, #tpu.memory_space<hbm>>
      %dma_start3A_24 = arith.constant 0 : i32
      %dma_start3A_25 = tpu.memref_slice %arg3[%mul3A_2, %dma_start3A_24] : memref<16384x16xf32, #tpu.memory_space<hbm>> -> memref<512x16xf32, #tpu.memory_space<hbm>>
      tpu.enqueue_dma source(%arg7 : memref<512x16xf32, #tpu.memory_space<vmem>>) target(%dma_start3A_25 : memref<512x16xf32, #tpu.memory_space<hbm>>) target_semaphore(%run_scoped3A : memref<!tpu.dma_semaphore, #tpu.memory_space<semaphore_mem>>)
      %dma_wait3A = arith.constant 0 : i32
      %dma_wait3A_26 = tpu.memref_slice %arg3[%mul3A_2, %dma_wait3A] : memref<16384x16xf32, #tpu.memory_space<hbm>> -> memref<512x16xf32, #tpu.memory_space<hbm>>
      %dma_wait3A_27 = arith.constant 0 : i32
      %dma_wait3A_28 = tpu.memref_slice %arg3[%mul3A_2, %dma_wait3A_27] : memref<16384x16xf32, #tpu.memory_space<hbm>> -> memref<512x16xf32, #tpu.memory_space<hbm>>
      tpu.wait_dma2 semaphore(%run_scoped3A : memref<!tpu.dma_semaphore, #tpu.memory_space<semaphore_mem>>) src(%arg7 : memref<512x16xf32, #tpu.memory_space<vmem>>) dst(%dma_wait3A_28 : memref<512x16xf32, #tpu.memory_space<hbm>>)
      tpu.yield
    }) : () -> ()
    "tpu.region"() ({
      %run_scoped3A = tpu.sem_alloc : memref<!tpu.dma_semaphore, #tpu.memory_space<semaphore_mem>>
      %dma_start3A = arith.constant 0 : i32
      %dma_start3A_23 = tpu.memref_slice %arg4[%mul3A_2, %dma_start3A] : memref<16384x16xi32, #tpu.memory_space<hbm>> -> memref<512x16xi32, #tpu.memory_space<hbm>>
      %dma_start3A_24 = arith.constant 0 : i32
      %dma_start3A_25 = tpu.memref_slice %arg4[%mul3A_2, %dma_start3A_24] : memref<16384x16xi32, #tpu.memory_space<hbm>> -> memref<512x16xi32, #tpu.memory_space<hbm>>
      tpu.enqueue_dma source(%arg8 : memref<512x16xi32, #tpu.memory_space<vmem>>) target(%dma_start3A_25 : memref<512x16xi32, #tpu.memory_space<hbm>>) target_semaphore(%run_scoped3A : memref<!tpu.dma_semaphore, #tpu.memory_space<semaphore_mem>>)
      %dma_wait3A = arith.constant 0 : i32
      %dma_wait3A_26 = tpu.memref_slice %arg4[%mul3A_2, %dma_wait3A] : memref<16384x16xi32, #tpu.memory_space<hbm>> -> memref<512x16xi32, #tpu.memory_space<hbm>>
      %dma_wait3A_27 = arith.constant 0 : i32
      %dma_wait3A_28 = tpu.memref_slice %arg4[%mul3A_2, %dma_wait3A_27] : memref<16384x16xi32, #tpu.memory_space<hbm>> -> memref<512x16xi32, #tpu.memory_space<hbm>>
      tpu.wait_dma2 semaphore(%run_scoped3A : memref<!tpu.dma_semaphore, #tpu.memory_space<semaphore_mem>>) src(%arg8 : memref<512x16xi32, #tpu.memory_space<vmem>>) dst(%dma_wait3A_28 : memref<512x16xi32, #tpu.memory_space<hbm>>)
      tpu.yield
    }) : () -> ()
    "tpu.region"() ({
      %run_scoped3A = tpu.sem_alloc : memref<!tpu.dma_semaphore, #tpu.memory_space<semaphore_mem>>
      %dma_start3A = arith.constant 0 : i32
      %dma_start3A_23 = tpu.memref_slice %arg5[%mul3A_2, %dma_start3A] : memref<16384x64xf32, #tpu.memory_space<hbm>> -> memref<512x64xf32, #tpu.memory_space<hbm>>
      %dma_start3A_24 = arith.constant 0 : i32
      %dma_start3A_25 = tpu.memref_slice %arg5[%mul3A_2, %dma_start3A_24] : memref<16384x64xf32, #tpu.memory_space<hbm>> -> memref<512x64xf32, #tpu.memory_space<hbm>>
      tpu.enqueue_dma source(%arg9 : memref<512x64xf32, #tpu.memory_space<vmem>>) target(%dma_start3A_25 : memref<512x64xf32, #tpu.memory_space<hbm>>) target_semaphore(%run_scoped3A : memref<!tpu.dma_semaphore, #tpu.memory_space<semaphore_mem>>)
      %dma_wait3A = arith.constant 0 : i32
      %dma_wait3A_26 = tpu.memref_slice %arg5[%mul3A_2, %dma_wait3A] : memref<16384x64xf32, #tpu.memory_space<hbm>> -> memref<512x64xf32, #tpu.memory_space<hbm>>
      %dma_wait3A_27 = arith.constant 0 : i32
      %dma_wait3A_28 = tpu.memref_slice %arg5[%mul3A_2, %dma_wait3A_27] : memref<16384x64xf32, #tpu.memory_space<hbm>> -> memref<512x64xf32, #tpu.memory_space<hbm>>
      tpu.wait_dma2 semaphore(%run_scoped3A : memref<!tpu.dma_semaphore, #tpu.memory_space<semaphore_mem>>) src(%arg9 : memref<512x64xf32, #tpu.memory_space<vmem>>) dst(%dma_wait3A_28 : memref<512x64xf32, #tpu.memory_space<hbm>>)
      tpu.yield
    }) : () -> ()
    return
  }
}

module attributes {stable_mosaic.version = 14 : i64} {
  func.func @_matmul_body(%arg0: i32, %arg1: memref<1024x4096xf32, #tpu.memory_space<vmem>>, %arg2: memref<4096x64xf32, #tpu.memory_space<vmem>>, %arg3: memref<1024x64xf32, #tpu.memory_space<vmem>>) attributes {dimension_semantics = [#tpu.dimension_semantics<arbitrary>], iteration_bounds = array<i64: 16>, scalar_prefetch = 0 : i64, scratch_operands = 0 : i64, tpu.core_type = #tpu.core_type<tc>, window_params = [{transform_indices = @transform_0, window_bounds = array<i64: 1024, 4096>}, {pipeline_mode = #tpu.pipeline_mode<synchronous>, transform_indices = @transform_1, window_bounds = array<i64: 4096, 64>}, {transform_indices = @transform_2, window_bounds = array<i64: 1024, 64>}]} {
    %get3A = arith.constant 0 : index
    %get3A_0 = arith.constant 0 : index
    %get3A_1 = vector.load %arg1[%get3A, %get3A_0] : memref<1024x4096xf32, #tpu.memory_space<vmem>>, vector<1024x4096xf32>
    %get3A_2 = arith.constant 0 : index
    %get3A_3 = arith.constant 0 : index
    %get3A_4 = vector.load %arg2[%get3A_2, %get3A_3] : memref<4096x64xf32, #tpu.memory_space<vmem>>, vector<4096x64xf32>
    %dot_general3A = arith.constant dense<0.000000e+00> : vector<1024x64xf32>
    %dot_general3A_5 = tpu.matmul %get3A_1, %get3A_4, %dot_general3A {dimension_numbers = #tpu.dot_dimension_numbers<[1], [0], [0], [1], [0, 0, 1, 1], [], []>, transpose_lhs_hint = false} : vector<1024x4096xf32>, vector<4096x64xf32>, vector<1024x64xf32> -> vector<1024x64xf32>
    %swap3A = arith.constant 0 : index
    %swap3A_6 = arith.constant 0 : index
    %swap3A_7 = vector.load %arg3[%swap3A, %swap3A_6] : memref<1024x64xf32, #tpu.memory_space<vmem>>, vector<1024x64xf32>
    tpu.vector_store %arg3[%swap3A, %swap3A_6], %dot_general3A_5 {strides = array<i32>} : memref<1024x64xf32, #tpu.memory_space<vmem>>, vector<1024x64xf32>,
    return
  }
  func.func @transform_0(%arg0: i32) -> (i32, i32) {
    %c0_i32 = arith.constant 0 : i32
    %c0_i32_0 = arith.constant 0 : i32
    return %arg0, %c0_i32 : i32, i32
  }
  func.func @transform_1(%arg0: i32) -> (i32, i32) {
    %c0_i32 = arith.constant 0 : i32
    %c0_i32_0 = arith.constant 0 : i32
    %c0_i32_1 = arith.constant 0 : i32
    return %c0_i32, %c0_i32_0 : i32, i32
  }
  func.func @transform_2(%arg0: i32) -> (i32, i32) {
    %c0_i32 = arith.constant 0 : i32
    %c0_i32_0 = arith.constant 0 : i32
    return %arg0, %c0_i32 : i32, i32
  }
}

</mosaic_0001>

<sc_bundles>
// kernel: kernel.4.cloned.1.call-start
scs
__scs_entry_jumppad:
0x0: {  	(pc) =	sbr.rel $0x88, $3  }
0x1: {  	(tag) =	ssettag $0x0;
	lr =	simm.s32 $0x1  }
0x2: {  	[smem:$0x3F9F] =	sst lr;
	_ =	strace $0xD0000000  }
0x3: {  	_ = 	snop  }
0x4: {  	_ = 	snop  }
0x5: {  	_ = 	snop  }
0x6: {  	_ = 	snop  }
0x7: {  	_ = 	snop  }
__scs_overlays_trampoline_lowered:
0x8: {  	[smem:$0x3FAE] =	sst s0  }
0x9: {  	[smem:$0x3FAF] =	sst s1  }
0xa: {  	[smem:$0x3FB0] =	sst s2  }
0xb: {  	[smem:$0x3FB1] =	sst s3  }
0xc: {  	[smem:$0x3FB2] =	sst s4  }
0xd: {  	[smem:$0x3FB3] =	sst s5  }
0xe: {  	[smem:$0x3FB4] =	sst s6  }
0xf: {  	[smem:$0x3FB5] =	sst s7  }
0x10: {  	[smem:$0x3FB6] =	sst s8  }
0x11: {  	[smem:$0x3FB7] =	sst s9;
	s0 =	simm.s32 @!p0 $0x0  }
0x12: {  	s1 =	sld [smem:$0x3F9D];
	s0 =	simm.s32 @p0 $0x1  }
0x13: {  	[smem:$0x3FB8] =	sst s0;
	s0 =	simm.s32 @!p1 $0x0  }
0x14: {  	s2 =	sld [smem:$0x3F9C];
	s0 =	simm.s32 @p1 $0x1  }
0x15: {  	[smem:$0x3FB9] =	sst s0;
	s0 =	simm.s32 @!p2 $0x0  }
0x16: {  	s3 =	sld [smem:$0x3FDB];
	s0 =	simm.s32 @p2 $0x1  }
0x17: {  	s4 =	simm.s32 $0x1BF5;
	[smem:$0x3FBB] =	sst s0  }
0x18: {  	s0 =	sld [smem:$0x3F9E];
	_ =	swait.ge [sflag:s4], $0x0  }
0x19: {  	s7 =	sld [smem:$0x3F9F]  }
0x1a: {  	s8 =	sadd.s32 $0xFFFFE003, lr  }
0x1b: {  	s9 =	sadd.s32 $0xFFFFFEF7, lr;
	s5 =	simm.s32 $0xFFFFFFFF;
	p2 =	slt.u32 s8, $0xFFFFF086  }
0x1c: {  	p1 =	slt.u32 s9, $0xF7A;
	s5 =	simm.s32 @!p2 $0x0  }
0x1d: {  	s5 =	simm.s32 @p1 $0x1;
	p0 =	seq.s32 s7, s2  }
0x1e: {  	s7 =	smul.u32 @!p0 $0xF7A, s2;
	p2 =	seq.s32 @!p0 s5, $0x0  }
0x1f: {  	s9 =	smul.u32 $0xF7A, s1;
	s8 =	simm.s32 @!p0 $0x1BF5;
	p2 =	por !p2, p0  }
0x20: {  	[sflag:s8] =	ssyncset.s32 @!p0 $0xFFFFF086;
	s6 =	sadd.s32 @!p0 s3, s7;
	s7 =	simm.s32 @!p0 $0x108  }
0x21: {  	s3 =	sadd.s32 s3, s9;
	s6 =	sadd.s32 @!p0 $0x88, s6;
	s7 =	simm.s32 @p2 $0x1082  }
0x22: {  	[simem:s7], [sflag:s8] =	dma.local @!p0 [hbm:s6], $0xF7A  }
0x23: {  	s9 =	sor.u32 $0xD0000000, s2;
	s6 =	simm.s32 $0x108;
	_ =	swait.ge @!p0 [sflag:s8], $0x0  }
0x24: {  	s3 =	sadd.s32 $0x88, s3;
	s6 =	simm.s32 @!p1 $0x1082;
	[sflag:s4] =	ssyncset.s32 $0xFFFFF086  }
0x25: {  	[simem:s6], [sflag:s4] =	dma.local [hbm:s3], $0xF7A  }
0x26: {  	[smem:$0x3F9F] =	sst s1;
	(tag) =	ssettag s2;
	_ =	strace s9  }
0x27: {  	s1 =	sld [smem:$0x3FAF]  }
0x28: {  	s2 =	sld [smem:$0x3FB0]  }
0x29: {  	s4 =	sld [smem:$0x3FB2]  }
0x2a: {  	p0 =	seq.s32 s5, $0x0;
	s5 =	sld [smem:$0x3FB3]  }
0x2b: {  	s6 =	sld [smem:$0x3FB4]  }
0x2c: {  	s7 =	sld [smem:$0x3FB5]  }
0x2d: {  	s3 =	simm.s32 $0x108;
	s8 =	sld [smem:$0x3FB6]  }
0x2e: {  	s3 =	simm.s32 @!p0 $0x1082;
	s9 =	sld [smem:$0x3FB7]  }
0x2f: {  	lr =	sadd.s32 s0, s3;
	s0 =	sld [smem:$0x3FAE]  }
0x30: {  	s3 =	sld [smem:$0x3FB1]  }
0x31: {  	[smem:$0x3FBA] =	sst s10  }
0x32: {  	s10 =	sld [smem:$0x3FB8];
	_ =	sdelay $0x3  }
0x33: {  	p0 =	seq.s32 s10, $0x1;
	s10 =	sld [smem:$0x3FBA];
	_ =	sdelay $0x3  }
0x34: {  	[smem:$0x3FBA] =	sst s10  }
0x35: {  	s10 =	sld [smem:$0x3FB9];
	_ =	sdelay $0x3  }
0x36: {  	p1 =	seq.s32 s10, $0x1;
	s10 =	sld [smem:$0x3FBA];
	_ =	sdelay $0x3  }
0x37: {  	[smem:$0x3FBA] =	sst s10  }
0x38: {  	s10 =	sld [smem:$0x3FBB]  }
0x39: {  	_ = 	snop;
	(pc) =	sbr.ind lr, $3  }
0x3a: {  	_ = 	snop  }
0x3b: {  	_ = 	snop  }
0x3c: {  	p2 =	seq.s32 s10, $0x1;
	s10 =	sld [smem:$0x3FBA]  }
0x3d: {  	_ =	shalt  }
0x3e: {  	_ =	shalt  }
0x3f: {  	_ =	shalt  }
0x40: {  	_ =	shalt  }
0x41: {  	_ =	shalt  }
0x42: {  	_ =	shalt  }
0x43: {  	_ =	shalt  }
0x44: {  	_ =	shalt  }
0x45: {  	_ =	shalt  }
0x46: {  	_ =	shalt  }
0x47: {  	_ =	shalt  }
0x48: {  	_ =	shalt  }
0x49: {  	_ =	shalt  }
0x4a: {  	_ =	shalt  }
0x4b: {  	_ =	shalt  }
0x4c: {  	_ =	shalt  }
0x4d: {  	_ =	shalt  }
0x4e: {  	_ =	shalt  }
0x4f: {  	_ =	shalt  }
0x50: {  	_ =	shalt  }
0x51: {  	_ =	shalt  }
0x52: {  	_ =	shalt  }
0x53: {  	_ =	shalt  }
0x54: {  	_ =	shalt  }
0x55: {  	_ =	shalt  }
0x56: {  	_ =	shalt  }
0x57: {  	_ =	shalt  }
0x58: {  	_ =	shalt  }
0x59: {  	_ =	shalt  }
0x5a: {  	_ =	shalt  }
0x5b: {  	_ =	shalt  }
0x5c: {  	_ =	shalt  }
0x5d: {  	_ =	shalt  }
0x5e: {  	_ =	shalt  }
0x5f: {  	_ =	shalt  }
0x60: {  	_ =	shalt  }
0x61: {  	_ =	shalt  }
0x62: {  	_ =	shalt  }
0x63: {  	_ =	shalt  }
0x64: {  	_ =	shalt  }
0x65: {  	_ =	shalt  }
0x66: {  	_ =	shalt  }
0x67: {  	_ =	shalt  }
0x68: {  	_ =	shalt  }
0x69: {  	_ =	shalt  }
0x6a: {  	_ =	shalt  }
0x6b: {  	_ =	shalt  }
0x6c: {  	_ =	shalt  }
0x6d: {  	_ =	shalt  }
0x6e: {  	_ =	shalt  }
0x6f: {  	_ =	shalt  }
0x70: {  	_ =	shalt  }
0x71: {  	_ =	shalt  }
0x72: {  	_ =	shalt  }
0x73: {  	_ =	shalt  }
0x74: {  	_ =	shalt  }
0x75: {  	_ =	shalt  }
0x76: {  	_ =	shalt  }
0x77: {  	_ =	shalt  }
0x78: {  	_ =	shalt  }
0x79: {  	_ =	shalt  }
0x7a: {  	_ =	shalt  }
0x7b: {  	_ =	shalt  }
0x7c: {  	_ =	shalt  }
0x7d: {  	_ =	shalt  }
0x7e: {  	_ =	shalt  }
0x7f: {  	_ =	shalt  }
0x80: {  	_ =	shalt  }
0x81: {  	_ =	shalt  }
0x82: {  	_ =	shalt  }
0x83: {  	_ =	shalt  }
0x84: {  	_ =	shalt  }
0x85: {  	_ =	shalt  }
0x86: {  	_ =	shalt  }
0x87: {  	_ =	shalt  }
.Lfunc_end0:
.L_simem_size_0:
called_computation_lowered:
.L_overlay_start_0:
0x88: {  	s2 =	sld [smem:$0x3FD9]  }
0x89: {  	s3 =	sld [smem:$0x3FFE];
	_ =	sdelay $0x1  }
0x8a: {  	s1 =	srdreg.scid  }
0x8b: {  	s0 =	sand.u32 $0x1, s1  }
0x8c: {  	s14 =	sshll.u32 s0, $0xA;
	s2 =	sadd.s32 s3, s2  }
0x8d: {  	s2 =	sadd.s32 s2, s14  }
0x8e: {  	[smem:$0x3FC6] =	sst s2  }
0x8f: {  	_ = 	snop  }
0x90: {  	s2 =	sld [smem:$0x3FD0];
	_ =	sdelay $0x2  }
0x91: {  	s15 =	simm.s32 $0xA;
	s4 =	simm.s32 $0x10  }
0x92: {  	[smem:s4], [sflag:s15] =	dma.local [hbm:s2], $0x1  }
0x93: {  	_ =	swait.eq [sflag:s15], $0x1  }
0x94: {  	[sflag:s15] =	ssyncset.done $0x0  }
0x95: {  	[sflag:s15] =	ssyncadd.s32 $0xFFFFFFFF  }
0x96: {  	s16 =	sld [smem:$0x12];
	(tm) =	ssettm $0x1  }
0x97: {  	s17 =	sld [smem:$0x3FFB];
	_ =	sdelay $0x3  }
0x98: {  	_ =	strace s17  }
0x99: {  	s3 =	sld [smem:$0x3FFC];
	_ =	sdelay $0x3  }
0x9a: {  	_ =	strace s3  }
0x9b: {  	s3 =	sld [smem:$0x3FFD];
	_ =	sdelay $0x3  }
0x9c: {  	_ =	strace s3  }
0x9d: {  	_ =	strace $0x8FFFFFFF  }
0x9e: {  	s18 =	sld [smem:$0x3FDB];
	_ =	sdelay $0x1  }
0x9f: {  	s19 =	simm.s32 $_scs_section_size  }
0xa0: {  	s5 =	simm.s32 $_size__tile_overlayer_lowered;
	s6 =	simm.s32 $_tile_overlayer_lowered  }
0xa1: {  	s22 =	simm.s32 $0x1BFF;
	s21 =	sshll.u32 s6, $0x1;
	s3 =	sadd.s32 s19, s18  }
0xa2: {  	s7 =	simm.s32 $0x0;
	s20 =	sshll.u32 s5, $0x1;
	s5 =	sadd.s32 s21, s3  }
0xa3: {  	[timem:s7], [sflag:s22] =	dma.local [hbm:s5], s20  }
0xa4: {  	_ =	swait.ge [sflag:s22], s20  }
0xa5: {  	s4 =	ssub.s32 $0x0, s20;
	[sflag:s22] =	ssyncset.done $0x0  }
0xa6: {  	[sflag:s22] =	ssyncadd.s32 s4;
	_ =	sdelay $0x1  }
0xa7: {  	s23 =	simm.s32 $0x1B8B  }
0xa8: {  	_ =	swait.ge [sflag:s23], $0x1  }
0xa9: {  	[sflag:s23] =	ssyncset.done $0x0  }
0xaa: {  	s25 =	simm.s32 $0x1B8E;
	s24 =	sld [smem:$0x3FFE];
	[sflag:s23] =	ssyncadd.s32 $0xFFFFFFFF  }
0xab: {  	s26 =	simm.s32 $execute0_lowered;
	[smem:$0x3FD2] =	sst s25  }
0xac: {  	s5 =	sshll.u32 s26, $0x1;
	_ =	strace $0x80000046;
	[dreg:$0x1] =	wrdreg $0xFFFFFFFF  }
0xad: {  	s28 =	simm.s32 $_size_execute0_lowered;
	s3 =	sadd.s32 s3, s5;
	[dreg:$0x0] =	wrdreg $0x0  }
0xae: {  	s5 =	sshll.u32 s28, $0x1;
	[dreg:$0x2] =	wrdreg s3  }
0xaf: {  	[dreg:$0x3] =	wrdreg s5  }
0xb0: {  	[dreg:$0x4] =	wrdreg $0xC0  }
0xb1: {  	_ =	task [dreg:s7], $0x5FFFF  }
0xb2: {  	[dreg:$0x1] =	wrdreg $0xFFFFFFFF  }
0xb3: {  	[dreg:$0x0] =	wrdreg $0x60  }
0xb4: {  	[dreg:$0x2] =	wrdreg s16  }
0xb5: {  	[dreg:$0x3] =	wrdreg s24  }
0xb6: {  	[dreg:$0x4] =	wrdreg $0x9  }
0xb7: {  	_ =	task.clear_ibuf [dreg:s7], $0x5FFFF;
	_ =	strace $0x90000046  }
0xb8: {  	s29 =	simm.s32 $0x9;
	_ =	strace $0x80000048  }
0xb9: {  	_ =	swait.ge [sflag:s29], $0x1  }
0xba: {  	[sflag:s29] =	ssyncadd.s32 $0xFFFFFFFF  }
0xbb: {  	_ =	strace $0x90000048  }
0xbc: {  	_ =	sfence  }
0xbd: {  	s30 =	sld [smem:$0x0];
	_ =	sdelay $0x2  }
0xbe: {  	s31 =	sshll.u32 s1, $0xD;
	s1 =	sshrl.u32 s1, $0x2  }
0xbf: {  	s3 =	sand.u32 $0x4000, s31;
	s1 =	sadd.s32 s1, s30  }
0xc0: {  	s0 =	sor.u32 s3, s0;
	s1 =	sshll.u32 s1, $0x11  }
0xc1: {  	s0 =	sor.u32 s1, s0  }
0xc2: {  	s0 =	sadd.s32 $0x8F2B, s0  }
0xc3: {  	[sflag:s0] =	ssyncadd.remote.s32 $0x1  }
0xc4: {  	_ =	sfence.sel $0xFFFF  }
0xc5: {  	[dreg:$0x0] =	wrdreg $0xFFFFFFFF;
	(pc) =	sbr.abs _section_cstart, $3  }
0xc6: {  	[dreg:$0x1] =	wrdreg $0xFFFFFFFF  }
0xc7: {  	_ =	task.clear_ibuf [dreg:s7], $0x2FFFF;
	_ =	strace $0x9FFFFFFF  }
0xc8: {  	(tm) =	ssettm $0x7FFFFFFF  }
0xc9: {  	_ =	shalt  }
tec
execute0_lowered:
.L_overlay_start_1:
0x0: {  	(tag) =	ssettag $0x1  }
0x1: {  	s3 =	rddreg [dreg:$0x0]  }
0x2: {  	s4 =	rddreg [dreg:$0x1];
	s2 =	srdreg.scid  }
0x3: {  	s0 =	rddreg [dreg:$0x2];
	s1 =	stileid.u32  }
0x4: {  	v0 =	vlaneseq.u32;
	vm0 =	vmmov $0x1;
	vm1 =	vcmask $0x300;
	s10 =	simm.s32 $0xA000;
	s11 =	simm.s32 $0xC000;
	s12 =	simm.s32 $0x0  }
0x5: {  	vm2 =	vcmask $0x320;
	vm3 =	vcmask $0x704;
	vm4 =	vcmask $0x720;
	s5 =	sand.u32 $0x1, s2;
	s2 =	simm.s32 $0x0;
	s6 =	sshll.u32 s1, $0xA  }
0x6: {  	vm5 =	vcmask $0xB20;
	vm6 =	vcmask $0xF20;
	vm7 =	vcmask $0x1320;
	s7 =	sshll.u32 s5, $0x9;
	[smem:$0x7FF] =	sst s2;
	s5 =	ssub.s32 $0x2, s5  }
0x7: {  	vm8 =	vcmask $0x1720;
	vm9 =	vcmask $0x1B20;
	vm10 =	vmmov $0xff;
	s6 =	sor.u32 s7, s6;
	_ =	strace $0x80000047;
	s8 =	sshrl.u32 s5, $0x1  }
0x8: {  	v9 =	vimm.f32 $0.0e+00;
	v1 =	vor.u32 $0x80000030, v0;
	v2 =	vor.u32 $0x80000020, v0;
	s7 =	sshll.u32 s6, $0x1;
	s6 =	sshll.u32 s6, $0x3;
	s8 =	ssub.s32 s5, s8  }
0x9: {  	v3 =	vor.u32 $0x80000010, v0;
	v4 =	vor.u32 $0x80000000, v0;
	v5 =	vor.u32 $0x10, v0;
	s7 =	sadd.s32 s7, s4;
	s9 =	sadd.s32 s6, s4;
	s3 =	sadd.s32 s3, s6  }
0xa: {  	v6 =	vor.u32 $0x20, v0;
	v7 =	vor.u32 $0x30, v0;
	v8 =	vadd.s32 $0xFFFFFFFF, v0;
	s4 =	sadd.s32 $0x8C00, s7;
	s5 =	sadd.s32 $0xC00, s7;
	s6 =	sadd.s32 $0x10C00, s9  }
0xb: {  	v10 =	vadd.s32 $0xF, v0;
	v11 =	vadd.s32 $0x1F, v0;
	v12 =	vadd.s32 $0x2F, v0;
	s7 =	smax.u32 s8, $0x1;
	s8 =	simm.s32 $0x1;
	s9 =	simm.s32 $0x8000  }
.LBB2_1:
0xc: {  	[tilespmem:s2], [sflag:$0x1] =	stream.linear.gather [hbm4b:s3+s2], $0x8000, $0x38;
	[tilespmem:$0x14000] =	vst v63  }
0xd: {  	_ =	swait.ge [sflag:s8], $0x8000  }
0xe: {  	s13 =	simm.s32 $0x20;
	[sflag:s8] =	ssyncset.done $0x0  }
0xf: {  	s14 =	simm.s32 $0xC020;
	s15 =	simm.s32 $0x0;
	[sflag:s8] =	ssyncadd.s32 $0xFFFF8000  }
.LBB2_2:
0x10: {  	v16 =	vld [tilespmem:s13+$0xFFFFFFE0]  }
0x11: {  	v15 =	vld [tilespmem:s13+$0xFFFFFFF0]  }
0x12: {  	v14 =	vld [tilespmem:s13+$0x0]  }
0x13: {  	v13 =	vld [tilespmem:s13+$0x10];
	_ =	sdelay $0x4  }
0x14: {  	v17 =	vmax.f32 v16, v15;
	v18 =	vmax.f32 v14, v13  }
0x15: {  	v17 =	vmax.f32 v17, v18  }
0x16: {  	(xrf0) =	vmax.scan.msk.f32 $0xffff, v17;
	_ =	sdelay $0x5  }
0x17: {  	v17, _, _ =	vpop (xrf0)  }
0x18: {  	v56 =	vbroadcast v17, $0xF;
	_ =	sdelay $0x1  }
0x19: {  	vm11 =	veq.f32 v13, v56  }
0x1a: {  	vm12 =	veq.f32 v14, v56;
	v57 =	vnsel vm11, $0x80000040, v1  }
0x1b: {  	vm11 =	veq.f32 v15, v56;
	v17 =	vsel vm12, v2, v57  }
0x1c: {  	vm12 =	veq.f32 v16, v56;
	v17 =	vsel vm11, v3, v17  }
0x1d: {  	v17 =	vsel vm12, v4, v17  }
0x1e: {  	(xrf0) =	vmin.scan.msk.u32 $0xffff, v17;
	_ =	sdelay $0x5  }
0x1f: {  	v17, _, _ =	vpop (xrf0)  }
0x20: {  	(v2sf) =	vpush v17, $0xF;
	_ =	sdelay $0xe  }
0x21: {  	s16 =	spop (v2sf)  }
0x22: {  	s16 =	sxor.u32 $0x80000000, s16  }
0x23: {  	v17 =	vmov s16  }
0x24: {  	vm11 =	veq.s32 v17, v0;
	vm12 =	veq.s32 v17, v6  }
0x25: {  	vm13 =	veq.s32 v17, v7;
	v20 =	vsel vm11, $0xFF800000, v16;
	vm11 =	veq.s32 v17, v5  }
0x26: {  	v22 =	vsel vm12, $0xFF800000, v14;
	v23 =	vsel vm13, $0xFF800000, v13;
	v21 =	vsel vm11, $0xFF800000, v15  }
0x27: {  	v24 =	vmax.f32 v22, v23;
	v19 =	vmax.f32 v20, v21  }
0x28: {  	v19 =	vmax.f32 v19, v24  }
0x29: {  	(xrf0) =	vmax.scan.msk.f32 $0xffff, v19;
	_ =	sdelay $0x5  }
0x2a: {  	v19, _, _ =	vpop (xrf0)  }
0x2b: {  	v19 =	vbroadcast v19, $0xF;
	_ =	sdelay $0x1  }
0x2c: {  	vm11 =	veq.f32 v23, v19  }
0x2d: {  	vm12 =	veq.f32 v22, v19;
	v58 =	vnsel vm11, $0x80000040, v1  }
0x2e: {  	vm11 =	veq.f32 v21, v19;
	v24 =	vsel vm12, v2, v58  }
0x2f: {  	vm12 =	veq.f32 v20, v19;
	v24 =	vsel vm11, v3, v24  }
0x30: {  	v24 =	vsel vm12, v4, v24  }
0x31: {  	(xrf0) =	vmin.scan.msk.u32 $0xffff, v24;
	_ =	sdelay $0x5  }
0x32: {  	v24, _, _ =	vpop (xrf0)  }
0x33: {  	(v2sf) =	vpush v24, $0xF;
	_ =	sdelay $0xe  }
0x34: {  	s29 =	spop (v2sf)  }
0x35: {  	s16 =	sxor.u32 $0x80000000, s29  }
0x36: {  	v59 =	vmov s16  }
0x37: {  	vm11 =	veq.s32 v59, v0;
	vm12 =	veq.s32 v59, v6  }
0x38: {  	vm13 =	veq.s32 v59, v7;
	v25 =	vsel vm11, $0xFF800000, v20;
	vm11 =	veq.s32 v59, v5  }
0x39: {  	v22 =	vsel vm12, $0xFF800000, v22;
	v23 =	vsel vm13, $0xFF800000, v23;
	v21 =	vsel vm11, $0xFF800000, v21  }
0x3a: {  	v60 =	vmax.f32 v22, v23;
	v20 =	vmax.f32 v25, v21  }
0x3b: {  	v20 =	vmax.f32 v20, v60  }
0x3c: {  	(xrf0) =	vmax.scan.msk.f32 $0xffff, v20;
	_ =	sdelay $0x5  }
0x3d: {  	v20, _, _ =	vpop (xrf0)  }
0x3e: {  	v20 =	vbroadcast v20, $0xF;
	_ =	sdelay $0x1  }
0x3f: {  	vm11 =	veq.f32 v23, v20  }
0x40: {  	vm12 =	veq.f32 v22, v20;
	v61 =	vnsel vm11, $0x80000040, v1  }
0x41: {  	vm11 =	veq.f32 v21, v20;
	v24 =	vsel vm12, v2, v61  }
0x42: {  	vm12 =	veq.f32 v25, v20;
	v24 =	vsel vm11, v3, v24  }
0x43: {  	v24 =	vsel vm12, v4, v24  }
0x44: {  	(xrf0) =	vmin.scan.msk.u32 $0xffff, v24;
	_ =	sdelay $0x5  }
0x45: {  	v24, _, _ =	vpop (xrf0)  }
0x46: {  	(v2sf) =	vpush v24, $0xF;
	_ =	sdelay $0xe  }
0x47: {  	s17 =	spop (v2sf)  }
0x48: {  	s17 =	sxor.u32 $0x80000000, s17  }
0x49: {  	v62 =	vmov s17  }
0x4a: {  	vm11 =	veq.s32 v62, v0;
	vm12 =	veq.s32 v62, v6  }
0x4b: {  	vm13 =	veq.s32 v62, v7;
	v25 =	vsel vm11, $0xFF800000, v25;
	vm11 =	veq.s32 v62, v5  }
0x4c: {  	v22 =	vsel vm12, $0xFF800000, v22;
	v23 =	vsel vm13, $0xFF800000, v23;
	v21 =	vsel vm11, $0xFF800000, v21  }
0x4d: {  	v26 =	vmax.f32 v22, v23;
	v63 =	vmax.f32 v25, v21  }
0x4e: {  	v24 =	vmax.f32 v63, v26  }
0x4f: {  	(xrf0) =	vmax.scan.msk.f32 $0xffff, v24;
	_ =	sdelay $0x5  }
0x50: {  	v24, _, _ =	vpop (xrf0)  }
0x51: {  	v24 =	vbroadcast v24, $0xF;
	_ =	sdelay $0x1  }
0x52: {  	vm11 =	veq.f32 v23, v24  }
0x53: {  	vm12 =	veq.f32 v22, v24;
	v28 =	vnsel vm11, $0x80000040, v1  }
0x54: {  	vm11 =	veq.f32 v21, v24;
	v26 =	vsel vm12, v2, v28  }
0x55: {  	vm12 =	veq.f32 v25, v24;
	v26 =	vsel vm11, v3, v26  }
0x56: {  	v26 =	vsel vm12, v4, v26  }
0x57: {  	(xrf0) =	vmin.scan.msk.u32 $0xffff, v26;
	_ =	sdelay $0x5  }
0x58: {  	v26, _, _ =	vpop (xrf0)  }
0x59: {  	(v2sf) =	vpush v26, $0xF;
	_ =	sdelay $0xe  }
0x5a: {  	s18 =	spop (v2sf)  }
0x5b: {  	s18 =	sxor.u32 $0x80000000, s18  }
0x5c: {  	v29 =	vmov s18  }
0x5d: {  	vm11 =	veq.s32 v29, v0;
	vm12 =	veq.s32 v29, v6  }
0x5e: {  	vm13 =	veq.s32 v29, v7;
	v25 =	vsel vm11, $0xFF800000, v25;
	vm11 =	veq.s32 v29, v5  }
0x5f: {  	v22 =	vsel vm12, $0xFF800000, v22;
	v23 =	vsel vm13, $0xFF800000, v23;
	v21 =	vsel vm11, $0xFF800000, v21  }
0x60: {  	v27 =	vmax.f32 v22, v23;
	v30 =	vmax.f32 v25, v21  }
0x61: {  	v26 =	vmax.f32 v30, v27  }
0x62: {  	(xrf0) =	vmax.scan.msk.f32 $0xffff, v26;
	_ =	sdelay $0x5  }
0x63: {  	v26, _, _ =	vpop (xrf0)  }
0x64: {  	v26 =	vbroadcast v26, $0xF;
	_ =	sdelay $0x1  }
0x65: {  	vm11 =	veq.f32 v23, v26  }
0x66: {  	vm12 =	veq.f32 v22, v26;
	v31 =	vnsel vm11, $0x80000040, v1  }
0x67: {  	vm11 =	veq.f32 v21, v26;
	v27 =	vsel vm12, v2, v31  }
0x68: {  	vm12 =	veq.f32 v25, v26;
	v27 =	vsel vm11, v3, v27  }
0x69: {  	v27 =	vsel vm12, v4, v27  }
0x6a: {  	(xrf0) =	vmin.scan.msk.u32 $0xffff, v27;
	_ =	sdelay $0x5  }
0x6b: {  	v27, _, _ =	vpop (xrf0)  }
0x6c: {  	(v2sf) =	vpush v27, $0xF;
	_ =	sdelay $0xe  }
0x6d: {  	s19 =	spop (v2sf)  }
0x6e: {  	s19 =	sxor.u32 $0x80000000, s19  }
0x6f: {  	v32 =	vmov s19  }
0x70: {  	vm11 =	veq.s32 v32, v0;
	vm12 =	veq.s32 v32, v6  }
0x71: {  	vm13 =	veq.s32 v32, v7;
	v25 =	vsel vm11, $0xFF800000, v25;
	vm11 =	veq.s32 v32, v5  }
0x72: {  	v22 =	vsel vm12, $0xFF800000, v22;
	v23 =	vsel vm13, $0xFF800000, v23;
	v21 =	vsel vm11, $0xFF800000, v21  }
0x73: {  	v28 =	vmax.f32 v22, v23;
	v33 =	vmax.f32 v25, v21  }
0x74: {  	v27 =	vmax.f32 v33, v28  }
0x75: {  	(xrf0) =	vmax.scan.msk.f32 $0xffff, v27;
	_ =	sdelay $0x5  }
0x76: {  	v27, _, _ =	vpop (xrf0)  }
0x77: {  	v27 =	vbroadcast v27, $0xF;
	_ =	sdelay $0x1  }
0x78: {  	vm11 =	veq.f32 v23, v27  }
0x79: {  	vm12 =	veq.f32 v22, v27;
	v34 =	vnsel vm11, $0x80000040, v1  }
0x7a: {  	vm11 =	veq.f32 v21, v27;
	v28 =	vsel vm12, v2, v34  }
0x7b: {  	vm12 =	veq.f32 v25, v27;
	v28 =	vsel vm11, v3, v28  }
0x7c: {  	v28 =	vsel vm12, v4, v28  }
0x7d: {  	(xrf0) =	vmin.scan.msk.u32 $0xffff, v28;
	_ =	sdelay $0x5  }
0x7e: {  	v28, _, _ =	vpop (xrf0)  }
0x7f: {  	(v2sf) =	vpush v28, $0xF;
	_ =	sdelay $0xe  }
0x80: {  	s20 =	spop (v2sf)  }
0x81: {  	s20 =	sxor.u32 $0x80000000, s20  }
0x82: {  	v35 =	vmov s20  }
0x83: {  	vm11 =	veq.s32 v35, v0;
	vm12 =	veq.s32 v35, v6  }
0x84: {  	vm13 =	veq.s32 v35, v7;
	v25 =	vsel vm11, $0xFF800000, v25;
	vm11 =	veq.s32 v35, v5  }
0x85: {  	v22 =	vsel vm12, $0xFF800000, v22;
	v23 =	vsel vm13, $0xFF800000, v23;
	v21 =	vsel vm11, $0xFF800000, v21  }
0x86: {  	v29 =	vmax.f32 v22, v23;
	v36 =	vmax.f32 v25, v21  }
0x87: {  	v28 =	vmax.f32 v36, v29  }
0x88: {  	(xrf0) =	vmax.scan.msk.f32 $0xffff, v28;
	_ =	sdelay $0x5  }
0x89: {  	v28, _, _ =	vpop (xrf0)  }
0x8a: {  	v28 =	vbroadcast v28, $0xF;
	_ =	sdelay $0x1  }
0x8b: {  	vm11 =	veq.f32 v23, v28  }
0x8c: {  	vm12 =	veq.f32 v22, v28;
	v37 =	vnsel vm11, $0x80000040, v1  }
0x8d: {  	vm11 =	veq.f32 v21, v28;
	v29 =	vsel vm12, v2, v37  }
0x8e: {  	vm12 =	veq.f32 v25, v28;
	v29 =	vsel vm11, v3, v29  }
0x8f: {  	v29 =	vsel vm12, v4, v29  }
0x90: {  	(xrf0) =	vmin.scan.msk.u32 $0xffff, v29;
	_ =	sdelay $0x5  }
0x91: {  	v29, _, _ =	vpop (xrf0)  }
0x92: {  	(v2sf) =	vpush v29, $0xF;
	_ =	sdelay $0xe  }
0x93: {  	s21 =	spop (v2sf)  }
0x94: {  	s21 =	sxor.u32 $0x80000000, s21  }
0x95: {  	v38 =	vmov s21  }
0x96: {  	vm11 =	veq.s32 v38, v0;
	vm12 =	veq.s32 v38, v6  }
0x97: {  	vm13 =	veq.s32 v38, v7;
	v25 =	vsel vm11, $0xFF800000, v25;
	vm11 =	veq.s32 v38, v5  }
0x98: {  	v22 =	vsel vm12, $0xFF800000, v22;
	v23 =	vsel vm13, $0xFF800000, v23;
	v21 =	vsel vm11, $0xFF800000, v21  }
0x99: {  	v30 =	vmax.f32 v22, v23;
	v39 =	vmax.f32 v25, v21  }
0x9a: {  	v29 =	vmax.f32 v39, v30  }
0x9b: {  	(xrf0) =	vmax.scan.msk.f32 $0xffff, v29;
	_ =	sdelay $0x1  }
0x9c: {  	v40 =	vnsel vm0, $0x0, v56;
	v41 =	vsub.f32 v16, v56  }
0x9d: {  	v42 =	vsub.f32 v15, v56;
	v19 =	vsel vm2, v40, v19  }
0x9e: {  	v45 =	vsub.f32 v14, v56;
	v43 =	vmul.f32 $1.442695020e+00, v41;
	v19 =	vsel vm4, v19, v20  }
0x9f: {  	v47 =	vsub.f32 v13, v56;
	v20 =	vmul.f32 $1.442695020e+00, v42;
	v19 =	vsel vm5, v19, v24  }
0xa0: {  	v46 =	vmul.f32 $1.442695020e+00, v45;
	(erf) = vpow2.f32 v43;
	v19 =	vsel vm6, v19, v26;
	v44, _, _ =	vpop (xrf0)  }
0xa1: {  	(erf) = vpow2.f32 v20;
	v19 =	vsel vm7, v19, v27;
	v29 =	vbroadcast v44, $0xF  }
0xa2: {  	v19 =	vsel vm8, v19, v28  }
0xa3: {  	v48 =	vmul.f32 $1.442695020e+00, v47;
	(erf) = vpow2.f32 v46;
	v19 =	vsel vm9, v19, v29  }
0xa4: {  	v18 =	vsub.f32 v19, v56  }
0xa5: {  	(erf) = vpow2.f32 v48  }
0xa6: {  	v18 =	vmul.f32 $1.442695020e+00, v18;
	_ =	sdelay $0x1  }
0xa7: {  	(erf) = vpow2.f32 v18  }
0xa8: {  	v49 =	vpop (erf)  }
0xa9: {  	v50 =	vpop (erf)  }
0xaa: {  	v18 =	vadd.f32 v50, v49  }
0xab: {  	v51 =	vpop (erf)  }
0xac: {  	v18 =	vadd.f32 v18, v51  }
0xad: {  	v52 =	vpop (erf)  }
0xae: {  	vm11 =	veq.f32 v23, v29;
	v18 =	vadd.f32 v18, v52  }
0xaf: {  	vm12 =	veq.f32 v22, v29;
	v53 =	vnsel vm11, $0x80000040, v1  }
0xb0: {  	vm11 =	veq.f32 v21, v29;
	v19 =	vsel vm12, v2, v53;
	(xrf2) =	vadd.scan.msk.f32 $0xffff, v18;
	v54 =	vpop (erf)  }
0xb1: {  	vm12 =	veq.f32 v25, v29;
	v19 =	vsel vm11, v3, v19;
	v55 =	vnsel vm10, $0x0, v54  }
0xb2: {  	v19 =	vsel vm12, v4, v19;
	(xrf2) =	vadd.scan.msk.f32 $0xffff, v55  }
0xb3: {  	(xrf0) =	vmin.scan.msk.u32 $0xffff, v19;
	_ =	sdelay $0x5  }
0xb4: {  	v19, _, _ =	vpop (xrf0)  }
0xb5: {  	(v2sf) =	vpush v19, $0xF;
	v56, _, _ =	vpop (xrf2)  }
0xb6: {  	(v2sf) =	vpush v56, $0xF  }
0xb7: {  	v57, _, _ =	vpop (xrf2)  }
0xb8: {  	(v2sf) =	vpush v57, $0xF;
	_ =	sdelay $0xb  }
0xb9: {  	s22 =	spop (v2sf)  }
0xba: {  	s23 =	spop (v2sf)  }
0xbb: {  	s23 =	smul.f32 $9.999999930e-09, s23  }
0xbc: {  	s24 =	spop (v2sf)  }
0xbd: {  	s23 =	sadd.f32 s24, s23;
	_ =	sdelay $0x1  }
0xbe: {  	v58 =	vmov s23  }
0xbf: {  	v17 =	vnsel vm1, $0x0, v17;
	(erf) = vrcp.f32 v58  }
0xc0: {  	v17 =	vsel vm3, s16, v17  }
0xc1: {  	v17 =	vnsel vm4, s17, v17  }
0xc2: {  	v17 =	vnsel vm5, s18, v17  }
0xc3: {  	v17 =	vnsel vm6, s19, v17;
	s30 =	sxor.u32 $0x80000000, s22  }
0xc4: {  	v17 =	vnsel vm7, s20, v17;
	v59 =	vmov s30  }
0xc5: {  	v17 =	vnsel vm8, s21, v17;
	vm11 =	veq.f32 v16, v29;
	vm12 =	vgt.s32 v59, v8  }
0xc6: {  	vm13 =	vgt.s32 v59, v10;
	vm11 =	vmand vm11, vm12;
	vm12 =	veq.f32 v15, v29  }
0xc7: {  	vm14 =	vgt.f32 v16, v29;
	v61 =	vnsel vm9, s30, v17;
	vm12 =	vmand vm12, vm13  }
0xc8: {  	vm13 =	vgt.f32 v15, v29;
	vm11 =	vmor vm14, vm11;
	vm14 =	vgt.s32 v59, v12;
	v60 =	vpop (erf)  }
0xc9: {  	s31 =	sshra.s32 s15, $0x2;
	vm12 =	vmor vm13, vm12;
	v62 =	vsel vm11, $0x3F800000, v9;
	v15 =	vmul.f32 v60, v54  }
0xca: {  	p0 =	sne.s32 s15, $0x7FC0;
	[tilespmem:s31+$0xA000] =	vst v61;
	vm13 =	vgt.s32 v59, v11;
	v63 =	vsel vm12, $0x3F800000, v9;
	vm12 =	veq.f32 v14, v29  }
.Ltmp0:
0xcb: {  	vm11 =	vgt.f32 v14, v29;
	vm12 =	vmand vm12, vm13;
	vm13 =	veq.f32 v13, v29;
	[tilespmem:s31+$0x8000] =	vst v15;
	(pc) =	sbr.rel @p0 .LBB2_2-.Ltmp0, $4  }
0xcc: {  	vm11 =	vmor vm11, vm12;
	vm12 =	vgt.f32 v13, v29;
	vm13 =	vmand vm13, vm14;
	[tilespmem:s14+$0xFFFFFFE0] =	vst v62  }
0xcd: {  	v13 =	vsel vm11, $0x3F800000, v9;
	vm11 =	vmor vm12, vm13;
	[tilespmem:s14+$0xFFFFFFF0] =	vst v63  }
0xce: {  	[tilespmem:s14+$0x0] =	vst v13;
	v13 =	vsel vm11, $0x3F800000, v9  }
0xcf: {  	s13 =	sadd.s32 $0x40, s13;
	s15 =	sadd.s32 $0x40, s15;
	[tilespmem:s14+$0x10] =	vst v13;
	s14 =	sadd.s32 $0x40, s14  }
0xd0: {  	[hbm4b:s4+s2] =	stream.linear.scatter [tilespmem:s9], [sflag:$0x1], $0x2000, $0x38;
	[tilespmem:$0x14000] =	vst v63  }
0xd1: {  	_ =	swait.ge [sflag:s8], $0x2000  }
0xd2: {  	[sflag:s8] =	ssyncset.done $0x0  }
0xd3: {  	[sflag:s8] =	ssyncadd.s32 $0xFFFFE000  }
0xd4: {  	[hbm4b:s5+s2] =	stream.linear.scatter [tilespmem:s10], [sflag:$0x1], $0x2000, $0x38;
	[tilespmem:$0x14000] =	vst v63  }
0xd5: {  	s12 =	sadd.s32 $0x1, s12;
	_ =	swait.ge [sflag:s8], $0x2000  }
0xd6: {  	p0 =	sne.s32 s12, s7;
	[sflag:s8] =	ssyncset.done $0x0  }
.Ltmp1:
0xd7: {  	[sflag:s8] =	ssyncadd.s32 $0xFFFFE000;
	(pc) =	sbr.rel @p0 .LBB2_1-.Ltmp1, $4  }
0xd8: {  	[hbm4b:s6+s2] =	stream.linear.scatter [tilespmem:s11], [sflag:$0x1], $0x8000, $0x38;
	[tilespmem:$0x14000] =	vst v63  }
0xd9: {  	_ =	swait.ge [sflag:s8], $0x8000  }
0xda: {  	[sflag:s8] =	ssyncset.done $0x0  }
0xdb: {  	[sflag:s8] =	ssyncadd.s32 $0xFFFF8000  }
0xdc: {  	_ =	sfence.sel $0x180000  }
0xdd: {  	[bflag:$0x0] =	sbarrier.arrive $0xFFFF  }
0xde: {  	p0 =	sne.s32 s1, $0x0;
	_ =	strace $0x90000047  }
0xdf: {  	s0 =	sadd.s32 @!p0 $0x100000, s0;
	[bflag:$0x2] =	sbarrier.arrive $0xFFFF  }
0xe0: {  	[sflag:s0] =	ssyncadd.tile.s32 @!p0 $0x1;
	_ =	shalt  }
.Lfunc_end2:
_tile_overlayer_lowered:
.L_overlay_start_2:
0xe1: {  	(tag) =	ssettag $0x2  }
0xe2: {  	s0 =	rddreg [dreg:$0x0];
	s2 =	stileid.u32  }
0xe3: {  	s1 =	rddreg [dreg:$0x1];
	p0 =	sne.s32 s2, $0x0  }
0xe4: {  	s3 =	rddreg [dreg:$0x2];
	[bflag:$0x3] =	sbarrier.arrive $0xFFFF;
	s2 =	simm.s32 @!p0 $0x1C01  }
0xe5: {  	[timem:s3], [sflag:s2] =	dma.local @!p0 [hbm:s0], s1  }
0xe6: {  	s0 =	simm.s32 @!p0 $0x1  }
0xe7: {  	_ =	swait.ge @!p0 [sflag:s0], s1  }
0xe8: {  	s1 =	ssub.s32 @!p0 $0x0, s1;
	[sflag:s0] =	ssyncset.done @!p0 $0x0  }
0xe9: {  	[sflag:s0] =	ssyncadd.s32 @!p0 s1  }
0xea: {  	[bflag:$0x3] =	sbarrier.arrive $0xFFFF  }
0xeb: {  	_ =	shalt  }

</sc_bundles>
